<compile_context>
chip_gen: v7x
topology: tpu7x:2x2x1
jax: 0.10.2.dev20260603
libtpu: 0.0.44.dev20260713+nightly
codegen_flags: <defaults>
</compile_context>

<pallas_src>
import functools

import jax
import jax.numpy as jnp
from jax import lax
from jax.experimental import pallas as pl
from jax.experimental.pallas import tpu as pltpu
from jax.experimental.pallas import tpu_sc as plsc

_EMB = 256
_HID = 256
_L = 512
_B = 4
_T = 3600
_TP = 3648
_PW = 456
_NW = 32
_ZERO_ROW = _B * _L
_LAST_SKIP = _TP - _T


def _layer_norm(h, g, b):
    mu = jnp.mean(h, axis=1, keepdims=True)
    d = h - mu
    var = jnp.mean(d * d, axis=1, keepdims=True)
    return d * lax.rsqrt(var + 1e-5) * g + b


def _shift(h, z):
    prev = jnp.concatenate([z, h[:-1, :]], axis=0)
    nxt = jnp.concatenate([h[1:, :], z], axis=0)
    return prev, nxt


def _tc_body(mel_ref, x_ref, tgt_ref, wk1_ref, b1_ref, g1_ref, be1_ref,
             wk2_ref, b2_ref, g2_ref, be2_ref, lw_ref, lb_ref,
             dur_ref, idx_ref):
    b = pl.program_id(0)
    xb = x_ref[0]

    z = jnp.zeros((1, _EMB), jnp.float32)
    xp, xn = _shift(xb, z)
    h = (jnp.dot(xp, wk1_ref[0], preferred_element_type=jnp.float32)
         + jnp.dot(xb, wk1_ref[1], preferred_element_type=jnp.float32)
         + jnp.dot(xn, wk1_ref[2], preferred_element_type=jnp.float32)
         + b1_ref[...])
    h = jax.nn.relu(_layer_norm(h, g1_ref[...], be1_ref[...]))
    hp, hn = _shift(h, z)
    h = (jnp.dot(hp, wk2_ref[0], preferred_element_type=jnp.float32)
         + jnp.dot(h, wk2_ref[1], preferred_element_type=jnp.float32)
         + jnp.dot(hn, wk2_ref[2], preferred_element_type=jnp.float32)
         + b2_ref[...])
    h = jax.nn.relu(_layer_norm(h, g2_ref[...], be2_ref[...]))
    dur = jax.nn.relu(jnp.dot(h, lw_ref[...],
                              preferred_element_type=jnp.float32)
                      + lb_ref[...])
    dur_ref[0] = dur

    rr = lax.broadcasted_iota(jnp.int32, (_L, _L), 0)
    cc = lax.broadcasted_iota(jnp.int32, (_L, _L), 1)
    ut = (rr <= cc).astype(jnp.float32)
    tgt_row = tgt_ref[0].astype(jnp.float32)
    ends_row = jnp.dot(tgt_row, ut,
                       preferred_element_type=jnp.float32)
    ends_i = ends_row.astype(jnp.int32)
    total = ends_i[0, _L - 1]
    limit = jnp.minimum(total, mel_ref[0, 0])
    base = b * _L
    nblk = 4
    blk = _TP // nblk
    for k in range(nblk):
        t_col = lax.broadcasted_iota(jnp.int32, (blk, 1), 0) + k * blk
        cnt = jnp.sum((ends_i <= t_col).astype(jnp.int32), axis=1,
                      keepdims=True)
        absidx = jnp.where(t_col < limit, cnt + base, _ZERO_ROW)
        idx_ref[0, pl.ds(k * blk, blk)] = absidx


def _run_tc(x, tgt, mel, wk1, b1r, g1r, be1r, wk2, b2r, g2r, be2r, lw, lbr):
    full3 = lambda s: pl.BlockSpec(s, lambda b: (0, 0, 0))
    full2 = lambda s: pl.BlockSpec(s, lambda b: (0, 0))
    return pl.pallas_call(
        _tc_body,
        grid=(_B,),
        in_specs=[
            pl.BlockSpec(memory_space=pltpu.SMEM),
            pl.BlockSpec((1, _L, _EMB), lambda b: (b, 0, 0)),
            pl.BlockSpec((1, 1, _L), lambda b: (b, 0, 0)),
            full3((3, _EMB, _HID)),
            full2((1, _HID)), full2((1, _HID)), full2((1, _HID)),
            full3((3, _HID, _HID)),
            full2((1, _HID)), full2((1, _HID)), full2((1, _HID)),
            full2((_HID, 1)),
            full2((1, 1)),
        ],
        out_specs=[
            pl.BlockSpec((1, _L, 1), lambda b: (b, 0, 0)),
            pl.BlockSpec((1, _TP, 1), lambda b: (b, 0, 0)),
        ],
        out_shape=[
            jax.ShapeDtypeStruct((_B, _L, 1), jnp.float32),
            jax.ShapeDtypeStruct((_B, _TP, 1), jnp.int32),
        ],
    )(mel, x, tgt, wk1, b1r, g1r, be1r, wk2, b2r, g2r, be2r, lw, lbr)


def _sc_body(table_hbm, idx_hbm, out_hbm, idxv, sem):
    cid = lax.axis_index("c")
    sid = lax.axis_index("s")
    wid = cid * 16 + sid
    b = wid // 8
    slot = wid % 8
    pad_base = wid * _PW
    out_base = b * _T + slot * _PW
    pltpu.sync_copy(idx_hbm.at[pl.ds(pad_base, _PW)], idxv.at[pl.ds(0, _PW)])
    nvalid = jnp.where(slot == 7, _PW - _LAST_SKIP, _PW)

    def body(g, carry):
        v = idxv[pl.ds(g * 16, 16)]
        for j in range(16):
            r = g * 16 + j

            @pl.when(r < nvalid)
            def _():
                pltpu.async_copy(table_hbm.at[pl.ds(v[j], 1)],
                                 out_hbm.at[pl.ds(out_base + r, 1)], sem)
        return carry

    lax.fori_loop(0, (nvalid + 15) // 16, body, 0)

    @pl.when(slot == 7)
    def _():
        pltpu.make_async_copy(
            out_hbm.at[pl.ds(out_base, _PW - _LAST_SKIP)],
            out_hbm.at[pl.ds(out_base, _PW - _LAST_SKIP)], sem).wait()

    @pl.when(slot != 7)
    def _():
        pltpu.make_async_copy(
            out_hbm.at[pl.ds(out_base, _PW)],
            out_hbm.at[pl.ds(out_base, _PW)], sem).wait()


def _run_sc(table, flat_idx):
    mesh = plsc.VectorSubcoreMesh(core_axis_name="c", subcore_axis_name="s")
    f = functools.partial(
        pl.kernel,
        out_type=jax.ShapeDtypeStruct((_B * _T, _EMB), jnp.float32),
        mesh=mesh,
        scratch_types=[
            pltpu.VMEM((464,), jnp.int32),
            pltpu.SemaphoreType.DMA,
        ],
    )(_sc_body)
    return f(table, flat_idx)


def kernel(x, target, mel_max_len, conv1_w, conv1_b, ln1_g, ln1_b,
           conv2_w, conv2_b, ln2_g, ln2_b, lin_w, lin_b):
    mel = jnp.asarray(mel_max_len, jnp.int32).reshape(1, 1)
    tgt = target.astype(jnp.int32).reshape(_B, 1, _L)
    wk1 = jnp.transpose(conv1_w, (2, 1, 0))
    wk2 = jnp.transpose(conv2_w, (2, 1, 0))
    dur3, idx3 = _run_tc(
        x, tgt, mel, wk1,
        conv1_b.reshape(1, _HID), ln1_g.reshape(1, _HID), ln1_b.reshape(1, _HID),
        wk2,
        conv2_b.reshape(1, _HID), ln2_g.reshape(1, _HID), ln2_b.reshape(1, _HID),
        lin_w, lin_b.reshape(1, 1))
    duration = dur3[:, :, 0]
    table = jnp.concatenate(
        [x.reshape(_B * _L, _EMB), jnp.zeros((8, _EMB), x.dtype)], axis=0)
    flat_idx = idx3.reshape(_B * _TP)
    out_flat = _run_sc(table, flat_idx)
    output = out_flat.reshape(_B, _T, _EMB)
    return (output, duration)

# --- scband reference (transcript-rebuilt; emitter-appended) ---
"""Pipeline reference for scband-length-regulator-88235808129082 (READ-ONLY COPY).

The authoritative reference and input builder live on the scoring server;
editing this copy changes nothing except your own understanding.
"""

import jax, jax.numpy as jnp
import numpy as np

EMB = 256
HID = 256
K = 3
B, L = 4, 512
MEL_MAX = 3600


def _layer_norm(h, g, b, eps=1e-5):
    mu = jnp.mean(h, axis=-1, keepdims=True)
    var = jnp.var(h, axis=-1, keepdims=True)
    return (h - mu) / jnp.sqrt(var + eps) * g + b


def _conv1d(h, w, b):
    # h: [B, C, L], w: [O, I, K], padding=1
    out = jax.lax.conv_general_dilated(h, w, window_strides=(1,), padding=[(1, 1)],
                                       dimension_numbers=('NCH', 'OIH', 'NCH'))
    return out + b[None, :, None]


def _duration_predictor(x, conv1_w, conv1_b, ln1_g, ln1_b, conv2_w, conv2_b, ln2_g, ln2_b, lin_w, lin_b):
    h = _conv1d(jnp.transpose(x, (0, 2, 1)), conv1_w, conv1_b)
    h = jnp.transpose(h, (0, 2, 1))
    h = jax.nn.relu(_layer_norm(h, ln1_g, ln1_b))
    # dropout is identity in deterministic reference
    h = _conv1d(jnp.transpose(h, (0, 2, 1)), conv2_w, conv2_b)
    h = jnp.transpose(h, (0, 2, 1))
    h = jax.nn.relu(_layer_norm(h, ln2_g, ln2_b))
    h = jax.nn.relu(h @ lin_w + lin_b)  # [B, L, 1]
    return jnp.squeeze(h, axis=-1)  # [B, L] (training-mode squeeze)


def setup_inputs(seed: int = 0) -> dict:
    key = jax.random.key(seed)
    ks = jax.random.split(key, 8)
    x = jax.random.normal(ks[0], (B, L, EMB), dtype=jnp.float32)
    target = jax.random.randint(ks[1], (B, L), 0, 8, dtype=jnp.int64 if jax.config.jax_enable_x64 else jnp.int32).astype(jnp.int32)
    conv1_w = jax.random.normal(ks[2], (HID, EMB, K), dtype=jnp.float32) * 0.02
    conv1_b = jnp.zeros((HID,), dtype=jnp.float32)
    ln1_g = jnp.ones((HID,), dtype=jnp.float32)
    ln1_b = jnp.zeros((HID,), dtype=jnp.float32)
    conv2_w = jax.random.normal(ks[3], (HID, HID, K), dtype=jnp.float32) * 0.02
    conv2_b = jnp.zeros((HID,), dtype=jnp.float32)
    ln2_g = jnp.ones((HID,), dtype=jnp.float32)
    ln2_b = jnp.zeros((HID,), dtype=jnp.float32)
    lin_w = jax.random.normal(ks[4], (HID, 1), dtype=jnp.float32) * 0.02
    lin_b = jnp.zeros((1,), dtype=jnp.float32)
    return {"x": x, "target": target, "mel_max_len": MEL_MAX,
            "conv1_w": conv1_w, "conv1_b": conv1_b, "ln1_g": ln1_g, "ln1_b": ln1_b,
            "conv2_w": conv2_w, "conv2_b": conv2_b, "ln2_g": ln2_g, "ln2_b": ln2_b,
            "lin_w": lin_w, "lin_b": lin_b}


def reference(x, target, mel_max_len, conv1_w, conv1_b, ln1_g, ln1_b, conv2_w, conv2_b, ln2_g, ln2_b, lin_w, lin_b):
    duration = _duration_predictor(x, conv1_w, conv1_b, ln1_g, ln1_b, conv2_w, conv2_b, ln2_g, ln2_b, lin_w, lin_b)
    # LR with ground-truth target durations
    target = target.astype(jnp.int32)
    starts = jnp.cumsum(target, axis=-1) - target          # [B, L] exclusive cumsum
    ends = starts + target                                  # [B, L]
    t = jnp.arange(MEL_MAX)                                 # [T] static full length
    alignment = ((t[None, :, None] >= starts[:, None, :]) &
                 (t[None, :, None] < ends[:, None, :]) &
                 (t[None, :, None] < mel_max_len)).astype(x.dtype)  # [B, T, L]
    output = jnp.einsum('btl,bld->btd', alignment, x)       # [B, mel_max_len, EMB]
    return (output, duration)

if __name__ == "__main__":
    import jax
    _d = setup_inputs()
    print(jax.jit(kernel)(*tuple(_d.values())))

</pallas_src>

<mosaic_0001>
#map = affine_map<(d0, d1) -> (0, 0)>
#map1 = affine_map<(d0, d1) -> (0)>
module attributes {stable_mosaic.version = 14 : i64} {
  func.func @_sc_body(%arg0: i32, %arg1: i32, %arg2: memref<2056x256xf32, #tpu.memory_space<hbm>>, %arg3: memref<14592xi32, #tpu.memory_space<hbm>>, %arg4: memref<14400x256xf32, #tpu.memory_space<hbm>>, %arg5: memref<464xi32, #tpu.memory_space<vmem>>, %arg6: memref<!tpu.dma_semaphore, #tpu.memory_space<semaphore_mem>>) attributes {dimension_semantics = [#tpu.dimension_semantics<core_parallel>, #tpu.dimension_semantics<subcore_parallel>], iteration_bounds = array<i64: 2, 16>, scalar_prefetch = 0 : i64, scratch_operands = 2 : i64, tpu.core_type = #tpu.core_type<sc_vector_subcore>, window_params = [{transform_indices = #map}, {transform_indices = #map1}, {transform_indices = #map}]} {
    %mul3A = arith.constant 16 : i32
    %mul3A_0 = arith.muli %arg0, %mul3A : i32
    %add3A = arith.addi %mul3A_0, %arg1 : i32
    %jit3A = arith.constant 8 : i32
    %div3A = arith.divsi %add3A, %jit3A : i32
    %sign3A = arith.constant 0 : i32
    %sign3A_1 = arith.cmpi sgt, %add3A, %sign3A : i32
    %sign3A_2 = arith.extui %sign3A_1 : i1 to i32
    %sign3A_3 = arith.constant 0 : i32
    %sign3A_4 = arith.cmpi slt, %add3A, %sign3A_3 : i32
    %sign3A_5 = arith.extui %sign3A_4 : i1 to i32
    %sign3A_6 = arith.subi %sign3A_2, %sign3A_5 : i32
    %sign3A_7 = arith.constant 0 : i32
    %sign3A_8 = arith.cmpi sgt, %jit3A, %sign3A_7 : i32
    %sign3A_9 = arith.extui %sign3A_8 : i1 to i32
    %sign3A_10 = arith.constant 0 : i32
    %sign3A_11 = arith.cmpi slt, %jit3A, %sign3A_10 : i32
    %sign3A_12 = arith.extui %sign3A_11 : i1 to i32
    %sign3A_13 = arith.subi %sign3A_9, %sign3A_12 : i32
    %ne3A = arith.cmpi ne, %sign3A_6, %sign3A_13 : i32
    %rem3A = arith.remsi %add3A, %jit3A : i32
    %ne3A_14 = arith.constant 0 : i32
    %ne3A_15 = arith.cmpi ne, %rem3A, %ne3A_14 : i32
    %and3A = arith.andi %ne3A, %ne3A_15 : i1
    %sub3A = arith.constant 1 : i32
    %sub3A_16 = arith.subi %div3A, %sub3A : i32
    %select_n3A = arith.select %and3A, %sub3A_16, %div3A : i32
    %jit3A_17 = arith.constant 8 : i32
    %eq3A = arith.constant 0 : i32
    %eq3A_18 = arith.cmpi eq, %jit3A_17, %eq3A : i32
    %jit3A_19 = arith.constant 1 : i32
    %select_n3A_20 = arith.select %eq3A_18, %jit3A_19, %jit3A_17 : i32
    %rem3A_21 = arith.remsi %add3A, %select_n3A_20 : i32
    %ne3A_22 = arith.constant 0 : i32
    %ne3A_23 = arith.cmpi ne, %rem3A_21, %ne3A_22 : i32
    %lt3A = arith.constant 0 : i32
    %lt3A_24 = arith.cmpi slt, %rem3A_21, %lt3A : i32
    %lt3A_25 = arith.constant 0 : i32
    %lt3A_26 = arith.cmpi slt, %select_n3A_20, %lt3A_25 : i32
    %ne3A_27 = arith.xori %lt3A_24, %lt3A_26 : i1
    %and3A_28 = arith.andi %ne3A_27, %ne3A_23 : i1
    %add3A_29 = arith.addi %rem3A_21, %select_n3A_20 : i32
    %select_n3A_30 = arith.select %and3A_28, %add3A_29, %rem3A_21 : i32
    %mul3A_31 = arith.constant 456 : i32
    %mul3A_32 = arith.muli %add3A, %mul3A_31 : i32
    %mul3A_33 = arith.constant 3600 : i32
    %mul3A_34 = arith.muli %select_n3A, %mul3A_33 : i32
    %mul3A_35 = arith.constant 456 : i32
    %mul3A_36 = arith.muli %select_n3A_30, %mul3A_35 : i32
    %add3A_37 = arith.addi %mul3A_34, %mul3A_36 : i32
    "tpu.region"() ({
      %run_scoped3A = tpu.sem_alloc : memref<!tpu.dma_semaphore, #tpu.memory_space<semaphore_mem>>
      %dma_start3A = arith.constant 0 : i32
      %dma_start3A_86 = tpu.memref_slice %arg5[%dma_start3A] : memref<464xi32, #tpu.memory_space<vmem>> -> memref<456xi32, #tpu.memory_space<vmem>>
      %dma_start3A_87 = tpu.memref_slice %arg3[%mul3A_32] : memref<14592xi32, #tpu.memory_space<hbm>> -> memref<456xi32, #tpu.memory_space<hbm>>
      %dma_start3A_88 = arith.constant 0 : i32
      %dma_start3A_89 = tpu.memref_slice %arg5[%dma_start3A_88] : memref<464xi32, #tpu.memory_space<vmem>> -> memref<456xi32, #tpu.memory_space<vmem>>
      %dma_start3A_90 = tpu.memref_slice %arg3[%mul3A_32] : memref<14592xi32, #tpu.memory_space<hbm>> -> memref<456xi32, #tpu.memory_space<hbm>>
      tpu.enqueue_dma source(%dma_start3A_90 : memref<456xi32, #tpu.memory_space<hbm>>) target(%dma_start3A_89 : memref<456xi32, #tpu.memory_space<vmem>>) target_semaphore(%run_scoped3A : memref<!tpu.dma_semaphore, #tpu.memory_space<semaphore_mem>>)
      %dma_wait3A = arith.constant 0 : i32
      %dma_wait3A_91 = tpu.memref_slice %arg5[%dma_wait3A] : memref<464xi32, #tpu.memory_space<vmem>> -> memref<456xi32, #tpu.memory_space<vmem>>
      %dma_wait3A_92 = tpu.memref_slice %arg3[%mul3A_32] : memref<14592xi32, #tpu.memory_space<hbm>> -> memref<456xi32, #tpu.memory_space<hbm>>
      %dma_wait3A_93 = arith.constant 0 : i32
      %dma_wait3A_94 = tpu.memref_slice %arg5[%dma_wait3A_93] : memref<464xi32, #tpu.memory_space<vmem>> -> memref<456xi32, #tpu.memory_space<vmem>>
      %dma_wait3A_95 = tpu.memref_slice %arg3[%mul3A_32] : memref<14592xi32, #tpu.memory_space<hbm>> -> memref<456xi32, #tpu.memory_space<hbm>>
      tpu.wait_dma2 semaphore(%run_scoped3A : memref<!tpu.dma_semaphore, #tpu.memory_space<semaphore_mem>>) src(%dma_wait3A_95 : memref<456xi32, #tpu.memory_space<hbm>>) dst(%dma_wait3A_94 : memref<456xi32, #tpu.memory_space<vmem>>)
      tpu.yield
    }) : () -> ()
    %eq3A_38 = arith.constant 7 : i32
    %eq3A_39 = arith.cmpi eq, %select_n3A_30, %eq3A_38 : i32
    %jit3A_40 = arith.constant 408 : i32
    %jit3A_41 = arith.constant 456 : i32
    %select_n3A_42 = arith.select %eq3A_39, %jit3A_40, %jit3A_41 : i32
    %add3A_43 = arith.constant 15 : i32
    %add3A_44 = arith.addi %select_n3A_42, %add3A_43 : i32
    %jit3A_45 = arith.constant 16 : i32
    %div3A_46 = arith.divsi %add3A_44, %jit3A_45 : i32
    %sign3A_47 = arith.constant 0 : i32
    %sign3A_48 = arith.cmpi sgt, %add3A_44, %sign3A_47 : i32
    %sign3A_49 = arith.extui %sign3A_48 : i1 to i32
    %sign3A_50 = arith.constant 0 : i32
    %sign3A_51 = arith.cmpi slt, %add3A_44, %sign3A_50 : i32
    %sign3A_52 = arith.extui %sign3A_51 : i1 to i32
    %sign3A_53 = arith.subi %sign3A_49, %sign3A_52 : i32
    %sign3A_54 = arith.constant 0 : i32
    %sign3A_55 = arith.cmpi sgt, %jit3A_45, %sign3A_54 : i32
    %sign3A_56 = arith.extui %sign3A_55 : i1 to i32
    %sign3A_57 = arith.constant 0 : i32
    %sign3A_58 = arith.cmpi slt, %jit3A_45, %sign3A_57 : i32
    %sign3A_59 = arith.extui %sign3A_58 : i1 to i32
    %sign3A_60 = arith.subi %sign3A_56, %sign3A_59 : i32
    %ne3A_61 = arith.cmpi ne, %sign3A_53, %sign3A_60 : i32
    %rem3A_62 = arith.remsi %add3A_44, %jit3A_45 : i32
    %ne3A_63 = arith.constant 0 : i32
    %ne3A_64 = arith.cmpi ne, %rem3A_62, %ne3A_63 : i32
    %and3A_65 = arith.andi %ne3A_61, %ne3A_64 : i1
    %sub3A_66 = arith.constant 1 : i32
    %sub3A_67 = arith.subi %div3A_46, %sub3A_66 : i32
    %select_n3A_68 = arith.select %and3A_65, %sub3A_67, %div3A_46 : i32
    %while3A = arith.constant 0 : i32
    %while3A_69 = arith.constant 0 : i32
    %while3A_70 = arith.subi %select_n3A_68, %while3A_69 : i32
    %while3A_71 = arith.addi %while3A_69, %while3A_70 : i32
    %while3A_72 = arith.constant 1 : i32
    %while3A_73 = arith.divsi %while3A_70, %while3A_72 : i32
    %while3A_74 = arith.muli %while3A_73, %while3A_72 : i32
    %while3A_75 = arith.addi %while3A_69, %while3A_74 : i32
    %while3A_76 = arith.constant 1 : i32
    scf.for %while3A_86 = %while3A_69 to %while3A_75 step %while3A_76  : i32 {
      %mul3A_87 = arith.constant 16 : i32
      %mul3A_88 = arith.muli %while3A_86, %mul3A_87 : i32
      %get3A = arith.index_cast %mul3A_88 : i32 to index
      %get3A_89 = tpu.vector_load %arg5[%get3A] {strides = array<i32>} : memref<464xi32, #tpu.memory_space<vmem>>, vector<16xi32>,
      %get3A_90 = vector.shape_cast %get3A_89 : vector<16xi32> to vector<16xi32>
      %mul3A_91 = arith.constant 16 : i32
      %mul3A_92 = arith.muli %while3A_86, %mul3A_91 : i32
      %add3A_93 = arith.constant 0 : i32
      %add3A_94 = arith.addi %mul3A_92, %add3A_93 : i32
      %lt3A_95 = arith.cmpi slt, %add3A_94, %select_n3A_42 : i32
      %convert_element_type3A_96 = arith.extui %lt3A_95 : i1 to i32
      %cond3A_97 = arith.constant 0 : i32
      %cond3A_98 = arith.cmpi ne, %convert_element_type3A_96, %cond3A_97 : i32
      scf.if %cond3A_98 {
        %slice3A = vector.extract_strided_slice %get3A_90 {offsets = [0], sizes = [1], strides = [1]} : vector<16xi32> to vector<1xi32>
        %squeeze3A = vector.extract %slice3A[0] : i32 from vector<1xi32>
        %add3A_219 = arith.addi %add3A_37, %add3A_94 : i32
        %dma_start3A = arith.constant 0 : i32
        %dma_start3A_220 = tpu.memref_slice %arg4[%add3A_219, %dma_start3A] : memref<14400x256xf32, #tpu.memory_space<hbm>> -> memref<1x256xf32, #tpu.memory_space<hbm>>
        %dma_start3A_221 = arith.constant 0 : i32
        %dma_start3A_222 = tpu.memref_slice %arg2[%squeeze3A, %dma_start3A_221] : memref<2056x256xf32, #tpu.memory_space<hbm>> -> memref<1x256xf32, #tpu.memory_space<hbm>>
        tpu.enqueue_dma source(%dma_start3A_222 : memref<1x256xf32, #tpu.memory_space<hbm>>) target(%dma_start3A_220 : memref<1x256xf32, #tpu.memory_space<hbm>>) target_semaphore(%arg6 : memref<!tpu.dma_semaphore, #tpu.memory_space<semaphore_mem>>)
      } else {
      }
      %mul3A_99 = arith.constant 16 : i32
      %mul3A_100 = arith.muli %while3A_86, %mul3A_99 : i32
      %add3A_101 = arith.constant 1 : i32
      %add3A_102 = arith.addi %mul3A_100, %add3A_101 : i32
      %lt3A_103 = arith.cmpi slt, %add3A_102, %select_n3A_42 : i32
      %convert_element_type3A_104 = arith.extui %lt3A_103 : i1 to i32
      %cond3A_105 = arith.constant 0 : i32
      %cond3A_106 = arith.cmpi ne, %convert_element_type3A_104, %cond3A_105 : i32
      scf.if %cond3A_106 {
        %slice3A = vector.extract_strided_slice %get3A_90 {offsets = [1], sizes = [1], strides = [1]} : vector<16xi32> to vector<1xi32>
        %squeeze3A = vector.extract %slice3A[0] : i32 from vector<1xi32>
        %add3A_219 = arith.addi %add3A_37, %add3A_102 : i32
        %dma_start3A = arith.constant 0 : i32
        %dma_start3A_220 = tpu.memref_slice %arg4[%add3A_219, %dma_start3A] : memref<14400x256xf32, #tpu.memory_space<hbm>> -> memref<1x256xf32, #tpu.memory_space<hbm>>
        %dma_start3A_221 = arith.constant 0 : i32
        %dma_start3A_222 = tpu.memref_slice %arg2[%squeeze3A, %dma_start3A_221] : memref<2056x256xf32, #tpu.memory_space<hbm>> -> memref<1x256xf32, #tpu.memory_space<hbm>>
        tpu.enqueue_dma source(%dma_start3A_222 : memref<1x256xf32, #tpu.memory_space<hbm>>) target(%dma_start3A_220 : memref<1x256xf32, #tpu.memory_space<hbm>>) target_semaphore(%arg6 : memref<!tpu.dma_semaphore, #tpu.memory_space<semaphore_mem>>)
      } else {
      }
      %mul3A_107 = arith.constant 16 : i32
      %mul3A_108 = arith.muli %while3A_86, %mul3A_107 : i32
      %add3A_109 = arith.constant 2 : i32
      %add3A_110 = arith.addi %mul3A_108, %add3A_109 : i32
      %lt3A_111 = arith.cmpi slt, %add3A_110, %select_n3A_42 : i32
      %convert_element_type3A_112 = arith.extui %lt3A_111 : i1 to i32
      %cond3A_113 = arith.constant 0 : i32
      %cond3A_114 = arith.cmpi ne, %convert_element_type3A_112, %cond3A_113 : i32
      scf.if %cond3A_114 {
        %slice3A = vector.extract_strided_slice %get3A_90 {offsets = [2], sizes = [1], strides = [1]} : vector<16xi32> to vector<1xi32>
        %squeeze3A = vector.extract %slice3A[0] : i32 from vector<1xi32>
        %add3A_219 = arith.addi %add3A_37, %add3A_110 : i32
        %dma_start3A = arith.constant 0 : i32
        %dma_start3A_220 = tpu.memref_slice %arg4[%add3A_219, %dma_start3A] : memref<14400x256xf32, #tpu.memory_space<hbm>> -> memref<1x256xf32, #tpu.memory_space<hbm>>
        %dma_start3A_221 = arith.constant 0 : i32
        %dma_start3A_222 = tpu.memref_slice %arg2[%squeeze3A, %dma_start3A_221] : memref<2056x256xf32, #tpu.memory_space<hbm>> -> memref<1x256xf32, #tpu.memory_space<hbm>>
        tpu.enqueue_dma source(%dma_start3A_222 : memref<1x256xf32, #tpu.memory_space<hbm>>) target(%dma_start3A_220 : memref<1x256xf32, #tpu.memory_space<hbm>>) target_semaphore(%arg6 : memref<!tpu.dma_semaphore, #tpu.memory_space<semaphore_mem>>)
      } else {
      }
      %mul3A_115 = arith.constant 16 : i32
      %mul3A_116 = arith.muli %while3A_86, %mul3A_115 : i32
      %add3A_117 = arith.constant 3 : i32
      %add3A_118 = arith.addi %mul3A_116, %add3A_117 : i32
      %lt3A_119 = arith.cmpi slt, %add3A_118, %select_n3A_42 : i32
      %convert_element_type3A_120 = arith.extui %lt3A_119 : i1 to i32
      %cond3A_121 = arith.constant 0 : i32
      %cond3A_122 = arith.cmpi ne, %convert_element_type3A_120, %cond3A_121 : i32
      scf.if %cond3A_122 {
        %slice3A = vector.extract_strided_slice %get3A_90 {offsets = [3], sizes = [1], strides = [1]} : vector<16xi32> to vector<1xi32>
        %squeeze3A = vector.extract %slice3A[0] : i32 from vector<1xi32>
        %add3A_219 = arith.addi %add3A_37, %add3A_118 : i32
        %dma_start3A = arith.constant 0 : i32
        %dma_start3A_220 = tpu.memref_slice %arg4[%add3A_219, %dma_start3A] : memref<14400x256xf32, #tpu.memory_space<hbm>> -> memref<1x256xf32, #tpu.memory_space<hbm>>
        %dma_start3A_221 = arith.constant 0 : i32
        %dma_start3A_222 = tpu.memref_slice %arg2[%squeeze3A, %dma_start3A_221] : memref<2056x256xf32, #tpu.memory_space<hbm>> -> memref<1x256xf32, #tpu.memory_space<hbm>>
        tpu.enqueue_dma source(%dma_start3A_222 : memref<1x256xf32, #tpu.memory_space<hbm>>) target(%dma_start3A_220 : memref<1x256xf32, #tpu.memory_space<hbm>>) target_semaphore(%arg6 : memref<!tpu.dma_semaphore, #tpu.memory_space<semaphore_mem>>)
      } else {
      }
      %mul3A_123 = arith.constant 16 : i32
      %mul3A_124 = arith.muli %while3A_86, %mul3A_123 : i32
      %add3A_125 = arith.constant 4 : i32
      %add3A_126 = arith.addi %mul3A_124, %add3A_125 : i32
      %lt3A_127 = arith.cmpi slt, %add3A_126, %select_n3A_42 : i32
      %convert_element_type3A_128 = arith.extui %lt3A_127 : i1 to i32
      %cond3A_129 = arith.constant 0 : i32
      %cond3A_130 = arith.cmpi ne, %convert_element_type3A_128, %cond3A_129 : i32
      scf.if %cond3A_130 {
        %slice3A = vector.extract_strided_slice %get3A_90 {offsets = [4], sizes = [1], strides = [1]} : vector<16xi32> to vector<1xi32>
        %squeeze3A = vector.extract %slice3A[0] : i32 from vector<1xi32>
        %add3A_219 = arith.addi %add3A_37, %add3A_126 : i32
        %dma_start3A = arith.constant 0 : i32
        %dma_start3A_220 = tpu.memref_slice %arg4[%add3A_219, %dma_start3A] : memref<14400x256xf32, #tpu.memory_space<hbm>> -> memref<1x256xf32, #tpu.memory_space<hbm>>
        %dma_start3A_221 = arith.constant 0 : i32
        %dma_start3A_222 = tpu.memref_slice %arg2[%squeeze3A, %dma_start3A_221] : memref<2056x256xf32, #tpu.memory_space<hbm>> -> memref<1x256xf32, #tpu.memory_space<hbm>>
        tpu.enqueue_dma source(%dma_start3A_222 : memref<1x256xf32, #tpu.memory_space<hbm>>) target(%dma_start3A_220 : memref<1x256xf32, #tpu.memory_space<hbm>>) target_semaphore(%arg6 : memref<!tpu.dma_semaphore, #tpu.memory_space<semaphore_mem>>)
      } else {
      }
      %mul3A_131 = arith.constant 16 : i32
      %mul3A_132 = arith.muli %while3A_86, %mul3A_131 : i32
      %add3A_133 = arith.constant 5 : i32
      %add3A_134 = arith.addi %mul3A_132, %add3A_133 : i32
      %lt3A_135 = arith.cmpi slt, %add3A_134, %select_n3A_42 : i32
      %convert_element_type3A_136 = arith.extui %lt3A_135 : i1 to i32
      %cond3A_137 = arith.constant 0 : i32
      %cond3A_138 = arith.cmpi ne, %convert_element_type3A_136, %cond3A_137 : i32
      scf.if %cond3A_138 {
        %slice3A = vector.extract_strided_slice %get3A_90 {offsets = [5], sizes = [1], strides = [1]} : vector<16xi32> to vector<1xi32>
        %squeeze3A = vector.extract %slice3A[0] : i32 from vector<1xi32>
        %add3A_219 = arith.addi %add3A_37, %add3A_134 : i32
        %dma_start3A = arith.constant 0 : i32
        %dma_start3A_220 = tpu.memref_slice %arg4[%add3A_219, %dma_start3A] : memref<14400x256xf32, #tpu.memory_space<hbm>> -> memref<1x256xf32, #tpu.memory_space<hbm>>
        %dma_start3A_221 = arith.constant 0 : i32
        %dma_start3A_222 = tpu.memref_slice %arg2[%squeeze3A, %dma_start3A_221] : memref<2056x256xf32, #tpu.memory_space<hbm>> -> memref<1x256xf32, #tpu.memory_space<hbm>>
        tpu.enqueue_dma source(%dma_start3A_222 : memref<1x256xf32, #tpu.memory_space<hbm>>) target(%dma_start3A_220 : memref<1x256xf32, #tpu.memory_space<hbm>>) target_semaphore(%arg6 : memref<!tpu.dma_semaphore, #tpu.memory_space<semaphore_mem>>)
      } else {
      }
      %mul3A_139 = arith.constant 16 : i32
      %mul3A_140 = arith.muli %while3A_86, %mul3A_139 : i32
      %add3A_141 = arith.constant 6 : i32
      %add3A_142 = arith.addi %mul3A_140, %add3A_141 : i32
      %lt3A_143 = arith.cmpi slt, %add3A_142, %select_n3A_42 : i32
      %convert_element_type3A_144 = arith.extui %lt3A_143 : i1 to i32
      %cond3A_145 = arith.constant 0 : i32
      %cond3A_146 = arith.cmpi ne, %convert_element_type3A_144, %cond3A_145 : i32
      scf.if %cond3A_146 {
        %slice3A = vector.extract_strided_slice %get3A_90 {offsets = [6], sizes = [1], strides = [1]} : vector<16xi32> to vector<1xi32>
        %squeeze3A = vector.extract %slice3A[0] : i32 from vector<1xi32>
        %add3A_219 = arith.addi %add3A_37, %add3A_142 : i32
        %dma_start3A = arith.constant 0 : i32
        %dma_start3A_220 = tpu.memref_slice %arg4[%add3A_219, %dma_start3A] : memref<14400x256xf32, #tpu.memory_space<hbm>> -> memref<1x256xf32, #tpu.memory_space<hbm>>
        %dma_start3A_221 = arith.constant 0 : i32
        %dma_start3A_222 = tpu.memref_slice %arg2[%squeeze3A, %dma_start3A_221] : memref<2056x256xf32, #tpu.memory_space<hbm>> -> memref<1x256xf32, #tpu.memory_space<hbm>>
        tpu.enqueue_dma source(%dma_start3A_222 : memref<1x256xf32, #tpu.memory_space<hbm>>) target(%dma_start3A_220 : memref<1x256xf32, #tpu.memory_space<hbm>>) target_semaphore(%arg6 : memref<!tpu.dma_semaphore, #tpu.memory_space<semaphore_mem>>)
      } else {
      }
      %mul3A_147 = arith.constant 16 : i32
      %mul3A_148 = arith.muli %while3A_86, %mul3A_147 : i32
      %add3A_149 = arith.constant 7 : i32
      %add3A_150 = arith.addi %mul3A_148, %add3A_149 : i32
      %lt3A_151 = arith.cmpi slt, %add3A_150, %select_n3A_42 : i32
      %convert_element_type3A_152 = arith.extui %lt3A_151 : i1 to i32
      %cond3A_153 = arith.constant 0 : i32
      %cond3A_154 = arith.cmpi ne, %convert_element_type3A_152, %cond3A_153 : i32
      scf.if %cond3A_154 {
        %slice3A = vector.extract_strided_slice %get3A_90 {offsets = [7], sizes = [1], strides = [1]} : vector<16xi32> to vector<1xi32>
        %squeeze3A = vector.extract %slice3A[0] : i32 from vector<1xi32>
        %add3A_219 = arith.addi %add3A_37, %add3A_150 : i32
        %dma_start3A = arith.constant 0 : i32
        %dma_start3A_220 = tpu.memref_slice %arg4[%add3A_219, %dma_start3A] : memref<14400x256xf32, #tpu.memory_space<hbm>> -> memref<1x256xf32, #tpu.memory_space<hbm>>
        %dma_start3A_221 = arith.constant 0 : i32
        %dma_start3A_222 = tpu.memref_slice %arg2[%squeeze3A, %dma_start3A_221] : memref<2056x256xf32, #tpu.memory_space<hbm>> -> memref<1x256xf32, #tpu.memory_space<hbm>>
        tpu.enqueue_dma source(%dma_start3A_222 : memref<1x256xf32, #tpu.memory_space<hbm>>) target(%dma_start3A_220 : memref<1x256xf32, #tpu.memory_space<hbm>>) target_semaphore(%arg6 : memref<!tpu.dma_semaphore, #tpu.memory_space<semaphore_mem>>)
      } else {
      }
      %mul3A_155 = arith.constant 16 : i32
      %mul3A_156 = arith.muli %while3A_86, %mul3A_155 : i32
      %add3A_157 = arith.constant 8 : i32
      %add3A_158 = arith.addi %mul3A_156, %add3A_157 : i32
      %lt3A_159 = arith.cmpi slt, %add3A_158, %select_n3A_42 : i32
      %convert_element_type3A_160 = arith.extui %lt3A_159 : i1 to i32
      %cond3A_161 = arith.constant 0 : i32
      %cond3A_162 = arith.cmpi ne, %convert_element_type3A_160, %cond3A_161 : i32
      scf.if %cond3A_162 {
        %slice3A = vector.extract_strided_slice %get3A_90 {offsets = [8], sizes = [1], strides = [1]} : vector<16xi32> to vector<1xi32>
        %squeeze3A = vector.extract %slice3A[0] : i32 from vector<1xi32>
        %add3A_219 = arith.addi %add3A_37, %add3A_158 : i32
        %dma_start3A = arith.constant 0 : i32
        %dma_start3A_220 = tpu.memref_slice %arg4[%add3A_219, %dma_start3A] : memref<14400x256xf32, #tpu.memory_space<hbm>> -> memref<1x256xf32, #tpu.memory_space<hbm>>
        %dma_start3A_221 = arith.constant 0 : i32
        %dma_start3A_222 = tpu.memref_slice %arg2[%squeeze3A, %dma_start3A_221] : memref<2056x256xf32, #tpu.memory_space<hbm>> -> memref<1x256xf32, #tpu.memory_space<hbm>>
        tpu.enqueue_dma source(%dma_start3A_222 : memref<1x256xf32, #tpu.memory_space<hbm>>) target(%dma_start3A_220 : memref<1x256xf32, #tpu.memory_space<hbm>>) target_semaphore(%arg6 : memref<!tpu.dma_semaphore, #tpu.memory_space<semaphore_mem>>)
      } else {
      }
      %mul3A_163 = arith.constant 16 : i32
      %mul3A_164 = arith.muli %while3A_86, %mul3A_163 : i32
      %add3A_165 = arith.constant 9 : i32
      %add3A_166 = arith.addi %mul3A_164, %add3A_165 : i32
      %lt3A_167 = arith.cmpi slt, %add3A_166, %select_n3A_42 : i32
      %convert_element_type3A_168 = arith.extui %lt3A_167 : i1 to i32
      %cond3A_169 = arith.constant 0 : i32
      %cond3A_170 = arith.cmpi ne, %convert_element_type3A_168, %cond3A_169 : i32
      scf.if %cond3A_170 {
        %slice3A = vector.extract_strided_slice %get3A_90 {offsets = [9], sizes = [1], strides = [1]} : vector<16xi32> to vector<1xi32>
        %squeeze3A = vector.extract %slice3A[0] : i32 from vector<1xi32>
        %add3A_219 = arith.addi %add3A_37, %add3A_166 : i32
        %dma_start3A = arith.constant 0 : i32
        %dma_start3A_220 = tpu.memref_slice %arg4[%add3A_219, %dma_start3A] : memref<14400x256xf32, #tpu.memory_space<hbm>> -> memref<1x256xf32, #tpu.memory_space<hbm>>
        %dma_start3A_221 = arith.constant 0 : i32
        %dma_start3A_222 = tpu.memref_slice %arg2[%squeeze3A, %dma_start3A_221] : memref<2056x256xf32, #tpu.memory_space<hbm>> -> memref<1x256xf32, #tpu.memory_space<hbm>>
        tpu.enqueue_dma source(%dma_start3A_222 : memref<1x256xf32, #tpu.memory_space<hbm>>) target(%dma_start3A_220 : memref<1x256xf32, #tpu.memory_space<hbm>>) target_semaphore(%arg6 : memref<!tpu.dma_semaphore, #tpu.memory_space<semaphore_mem>>)
      } else {
      }
      %mul3A_171 = arith.constant 16 : i32
      %mul3A_172 = arith.muli %while3A_86, %mul3A_171 : i32
      %add3A_173 = arith.constant 10 : i32
      %add3A_174 = arith.addi %mul3A_172, %add3A_173 : i32
      %lt3A_175 = arith.cmpi slt, %add3A_174, %select_n3A_42 : i32
      %convert_element_type3A_176 = arith.extui %lt3A_175 : i1 to i32
      %cond3A_177 = arith.constant 0 : i32
      %cond3A_178 = arith.cmpi ne, %convert_element_type3A_176, %cond3A_177 : i32
      scf.if %cond3A_178 {
        %slice3A = vector.extract_strided_slice %get3A_90 {offsets = [10], sizes = [1], strides = [1]} : vector<16xi32> to vector<1xi32>
        %squeeze3A = vector.extract %slice3A[0] : i32 from vector<1xi32>
        %add3A_219 = arith.addi %add3A_37, %add3A_174 : i32
        %dma_start3A = arith.constant 0 : i32
        %dma_start3A_220 = tpu.memref_slice %arg4[%add3A_219, %dma_start3A] : memref<14400x256xf32, #tpu.memory_space<hbm>> -> memref<1x256xf32, #tpu.memory_space<hbm>>
        %dma_start3A_221 = arith.constant 0 : i32
        %dma_start3A_222 = tpu.memref_slice %arg2[%squeeze3A, %dma_start3A_221] : memref<2056x256xf32, #tpu.memory_space<hbm>> -> memref<1x256xf32, #tpu.memory_space<hbm>>
        tpu.enqueue_dma source(%dma_start3A_222 : memref<1x256xf32, #tpu.memory_space<hbm>>) target(%dma_start3A_220 : memref<1x256xf32, #tpu.memory_space<hbm>>) target_semaphore(%arg6 : memref<!tpu.dma_semaphore, #tpu.memory_space<semaphore_mem>>)
      } else {
      }
      %mul3A_179 = arith.constant 16 : i32
      %mul3A_180 = arith.muli %while3A_86, %mul3A_179 : i32
      %add3A_181 = arith.constant 11 : i32
      %add3A_182 = arith.addi %mul3A_180, %add3A_181 : i32
      %lt3A_183 = arith.cmpi slt, %add3A_182, %select_n3A_42 : i32
      %convert_element_type3A_184 = arith.extui %lt3A_183 : i1 to i32
      %cond3A_185 = arith.constant 0 : i32
      %cond3A_186 = arith.cmpi ne, %convert_element_type3A_184, %cond3A_185 : i32
      scf.if %cond3A_186 {
        %slice3A = vector.extract_strided_slice %get3A_90 {offsets = [11], sizes = [1], strides = [1]} : vector<16xi32> to vector<1xi32>
        %squeeze3A = vector.extract %slice3A[0] : i32 from vector<1xi32>
        %add3A_219 = arith.addi %add3A_37, %add3A_182 : i32
        %dma_start3A = arith.constant 0 : i32
        %dma_start3A_220 = tpu.memref_slice %arg4[%add3A_219, %dma_start3A] : memref<14400x256xf32, #tpu.memory_space<hbm>> -> memref<1x256xf32, #tpu.memory_space<hbm>>
        %dma_start3A_221 = arith.constant 0 : i32
        %dma_start3A_222 = tpu.memref_slice %arg2[%squeeze3A, %dma_start3A_221] : memref<2056x256xf32, #tpu.memory_space<hbm>> -> memref<1x256xf32, #tpu.memory_space<hbm>>
        tpu.enqueue_dma source(%dma_start3A_222 : memref<1x256xf32, #tpu.memory_space<hbm>>) target(%dma_start3A_220 : memref<1x256xf32, #tpu.memory_space<hbm>>) target_semaphore(%arg6 : memref<!tpu.dma_semaphore, #tpu.memory_space<semaphore_mem>>)
      } else {
      }
      %mul3A_187 = arith.constant 16 : i32
      %mul3A_188 = arith.muli %while3A_86, %mul3A_187 : i32
      %add3A_189 = arith.constant 12 : i32
      %add3A_190 = arith.addi %mul3A_188, %add3A_189 : i32
      %lt3A_191 = arith.cmpi slt, %add3A_190, %select_n3A_42 : i32
      %convert_element_type3A_192 = arith.extui %lt3A_191 : i1 to i32
      %cond3A_193 = arith.constant 0 : i32
      %cond3A_194 = arith.cmpi ne, %convert_element_type3A_192, %cond3A_193 : i32
      scf.if %cond3A_194 {
        %slice3A = vector.extract_strided_slice %get3A_90 {offsets = [12], sizes = [1], strides = [1]} : vector<16xi32> to vector<1xi32>
        %squeeze3A = vector.extract %slice3A[0] : i32 from vector<1xi32>
        %add3A_219 = arith.addi %add3A_37, %add3A_190 : i32
        %dma_start3A = arith.constant 0 : i32
        %dma_start3A_220 = tpu.memref_slice %arg4[%add3A_219, %dma_start3A] : memref<14400x256xf32, #tpu.memory_space<hbm>> -> memref<1x256xf32, #tpu.memory_space<hbm>>
        %dma_start3A_221 = arith.constant 0 : i32
        %dma_start3A_222 = tpu.memref_slice %arg2[%squeeze3A, %dma_start3A_221] : memref<2056x256xf32, #tpu.memory_space<hbm>> -> memref<1x256xf32, #tpu.memory_space<hbm>>
        tpu.enqueue_dma source(%dma_start3A_222 : memref<1x256xf32, #tpu.memory_space<hbm>>) target(%dma_start3A_220 : memref<1x256xf32, #tpu.memory_space<hbm>>) target_semaphore(%arg6 : memref<!tpu.dma_semaphore, #tpu.memory_space<semaphore_mem>>)
      } else {
      }
      %mul3A_195 = arith.constant 16 : i32
      %mul3A_196 = arith.muli %while3A_86, %mul3A_195 : i32
      %add3A_197 = arith.constant 13 : i32
      %add3A_198 = arith.addi %mul3A_196, %add3A_197 : i32
      %lt3A_199 = arith.cmpi slt, %add3A_198, %select_n3A_42 : i32
      %convert_element_type3A_200 = arith.extui %lt3A_199 : i1 to i32
      %cond3A_201 = arith.constant 0 : i32
      %cond3A_202 = arith.cmpi ne, %convert_element_type3A_200, %cond3A_201 : i32
      scf.if %cond3A_202 {
        %slice3A = vector.extract_strided_slice %get3A_90 {offsets = [13], sizes = [1], strides = [1]} : vector<16xi32> to vector<1xi32>
        %squeeze3A = vector.extract %slice3A[0] : i32 from vector<1xi32>
        %add3A_219 = arith.addi %add3A_37, %add3A_198 : i32
        %dma_start3A = arith.constant 0 : i32
        %dma_start3A_220 = tpu.memref_slice %arg4[%add3A_219, %dma_start3A] : memref<14400x256xf32, #tpu.memory_space<hbm>> -> memref<1x256xf32, #tpu.memory_space<hbm>>
        %dma_start3A_221 = arith.constant 0 : i32
        %dma_start3A_222 = tpu.memref_slice %arg2[%squeeze3A, %dma_start3A_221] : memref<2056x256xf32, #tpu.memory_space<hbm>> -> memref<1x256xf32, #tpu.memory_space<hbm>>
        tpu.enqueue_dma source(%dma_start3A_222 : memref<1x256xf32, #tpu.memory_space<hbm>>) target(%dma_start3A_220 : memref<1x256xf32, #tpu.memory_space<hbm>>) target_semaphore(%arg6 : memref<!tpu.dma_semaphore, #tpu.memory_space<semaphore_mem>>)
      } else {
      }
      %mul3A_203 = arith.constant 16 : i32
      %mul3A_204 = arith.muli %while3A_86, %mul3A_203 : i32
      %add3A_205 = arith.constant 14 : i32
      %add3A_206 = arith.addi %mul3A_204, %add3A_205 : i32
      %lt3A_207 = arith.cmpi slt, %add3A_206, %select_n3A_42 : i32
      %convert_element_type3A_208 = arith.extui %lt3A_207 : i1 to i32
      %cond3A_209 = arith.constant 0 : i32
      %cond3A_210 = arith.cmpi ne, %convert_element_type3A_208, %cond3A_209 : i32
      scf.if %cond3A_210 {
        %slice3A = vector.extract_strided_slice %get3A_90 {offsets = [14], sizes = [1], strides = [1]} : vector<16xi32> to vector<1xi32>
        %squeeze3A = vector.extract %slice3A[0] : i32 from vector<1xi32>
        %add3A_219 = arith.addi %add3A_37, %add3A_206 : i32
        %dma_start3A = arith.constant 0 : i32
        %dma_start3A_220 = tpu.memref_slice %arg4[%add3A_219, %dma_start3A] : memref<14400x256xf32, #tpu.memory_space<hbm>> -> memref<1x256xf32, #tpu.memory_space<hbm>>
        %dma_start3A_221 = arith.constant 0 : i32
        %dma_start3A_222 = tpu.memref_slice %arg2[%squeeze3A, %dma_start3A_221] : memref<2056x256xf32, #tpu.memory_space<hbm>> -> memref<1x256xf32, #tpu.memory_space<hbm>>
        tpu.enqueue_dma source(%dma_start3A_222 : memref<1x256xf32, #tpu.memory_space<hbm>>) target(%dma_start3A_220 : memref<1x256xf32, #tpu.memory_space<hbm>>) target_semaphore(%arg6 : memref<!tpu.dma_semaphore, #tpu.memory_space<semaphore_mem>>)
      } else {
      }
      %mul3A_211 = arith.constant 16 : i32
      %mul3A_212 = arith.muli %while3A_86, %mul3A_211 : i32
      %add3A_213 = arith.constant 15 : i32
      %add3A_214 = arith.addi %mul3A_212, %add3A_213 : i32
      %lt3A_215 = arith.cmpi slt, %add3A_214, %select_n3A_42 : i32
      %convert_element_type3A_216 = arith.extui %lt3A_215 : i1 to i32
      %cond3A_217 = arith.constant 0 : i32
      %cond3A_218 = arith.cmpi ne, %convert_element_type3A_216, %cond3A_217 : i32
      scf.if %cond3A_218 {
        %slice3A = vector.extract_strided_slice %get3A_90 {offsets = [15], sizes = [1], strides = [1]} : vector<16xi32> to vector<1xi32>
        %squeeze3A = vector.extract %slice3A[0] : i32 from vector<1xi32>
        %add3A_219 = arith.addi %add3A_37, %add3A_214 : i32
        %dma_start3A = arith.constant 0 : i32
        %dma_start3A_220 = tpu.memref_slice %arg4[%add3A_219, %dma_start3A] : memref<14400x256xf32, #tpu.memory_space<hbm>> -> memref<1x256xf32, #tpu.memory_space<hbm>>
        %dma_start3A_221 = arith.constant 0 : i32
        %dma_start3A_222 = tpu.memref_slice %arg2[%squeeze3A, %dma_start3A_221] : memref<2056x256xf32, #tpu.memory_space<hbm>> -> memref<1x256xf32, #tpu.memory_space<hbm>>
        tpu.enqueue_dma source(%dma_start3A_222 : memref<1x256xf32, #tpu.memory_space<hbm>>) target(%dma_start3A_220 : memref<1x256xf32, #tpu.memory_space<hbm>>) target_semaphore(%arg6 : memref<!tpu.dma_semaphore, #tpu.memory_space<semaphore_mem>>)
      } else {
      }
    }
    %while3A_77 = arith.constant 1 : i32
    scf.for %while3A_86 = %while3A_75 to %while3A_71 step %while3A_77  : i32 {
      %mul3A_87 = arith.constant 16 : i32
      %mul3A_88 = arith.muli %while3A_86, %mul3A_87 : i32
      %get3A = arith.index_cast %mul3A_88 : i32 to index
      %get3A_89 = tpu.vector_load %arg5[%get3A] {strides = array<i32>} : memref<464xi32, #tpu.memory_space<vmem>>, vector<16xi32>,
      %get3A_90 = vector.shape_cast %get3A_89 : vector<16xi32> to vector<16xi32>
      %mul3A_91 = arith.constant 16 : i32
      %mul3A_92 = arith.muli %while3A_86, %mul3A_91 : i32
      %add3A_93 = arith.constant 0 : i32
      %add3A_94 = arith.addi %mul3A_92, %add3A_93 : i32
      %lt3A_95 = arith.cmpi slt, %add3A_94, %select_n3A_42 : i32
      %convert_element_type3A_96 = arith.extui %lt3A_95 : i1 to i32
      %cond3A_97 = arith.constant 0 : i32
      %cond3A_98 = arith.cmpi ne, %convert_element_type3A_96, %cond3A_97 : i32
      scf.if %cond3A_98 {
        %slice3A = vector.extract_strided_slice %get3A_90 {offsets = [0], sizes = [1], strides = [1]} : vector<16xi32> to vector<1xi32>
        %squeeze3A = vector.extract %slice3A[0] : i32 from vector<1xi32>
        %add3A_219 = arith.addi %add3A_37, %add3A_94 : i32
        %dma_start3A = arith.constant 0 : i32
        %dma_start3A_220 = tpu.memref_slice %arg4[%add3A_219, %dma_start3A] : memref<14400x256xf32, #tpu.memory_space<hbm>> -> memref<1x256xf32, #tpu.memory_space<hbm>>
        %dma_start3A_221 = arith.constant 0 : i32
        %dma_start3A_222 = tpu.memref_slice %arg2[%squeeze3A, %dma_start3A_221] : memref<2056x256xf32, #tpu.memory_space<hbm>> -> memref<1x256xf32, #tpu.memory_space<hbm>>
        tpu.enqueue_dma source(%dma_start3A_222 : memref<1x256xf32, #tpu.memory_space<hbm>>) target(%dma_start3A_220 : memref<1x256xf32, #tpu.memory_space<hbm>>) target_semaphore(%arg6 : memref<!tpu.dma_semaphore, #tpu.memory_space<semaphore_mem>>)
      } else {
      }
      %mul3A_99 = arith.constant 16 : i32
      %mul3A_100 = arith.muli %while3A_86, %mul3A_99 : i32
      %add3A_101 = arith.constant 1 : i32
      %add3A_102 = arith.addi %mul3A_100, %add3A_101 : i32
      %lt3A_103 = arith.cmpi slt, %add3A_102, %select_n3A_42 : i32
      %convert_element_type3A_104 = arith.extui %lt3A_103 : i1 to i32
      %cond3A_105 = arith.constant 0 : i32
      %cond3A_106 = arith.cmpi ne, %convert_element_type3A_104, %cond3A_105 : i32
      scf.if %cond3A_106 {
        %slice3A = vector.extract_strided_slice %get3A_90 {offsets = [1], sizes = [1], strides = [1]} : vector<16xi32> to vector<1xi32>
        %squeeze3A = vector.extract %slice3A[0] : i32 from vector<1xi32>
        %add3A_219 = arith.addi %add3A_37, %add3A_102 : i32
        %dma_start3A = arith.constant 0 : i32
        %dma_start3A_220 = tpu.memref_slice %arg4[%add3A_219, %dma_start3A] : memref<14400x256xf32, #tpu.memory_space<hbm>> -> memref<1x256xf32, #tpu.memory_space<hbm>>
        %dma_start3A_221 = arith.constant 0 : i32
        %dma_start3A_222 = tpu.memref_slice %arg2[%squeeze3A, %dma_start3A_221] : memref<2056x256xf32, #tpu.memory_space<hbm>> -> memref<1x256xf32, #tpu.memory_space<hbm>>
        tpu.enqueue_dma source(%dma_start3A_222 : memref<1x256xf32, #tpu.memory_space<hbm>>) target(%dma_start3A_220 : memref<1x256xf32, #tpu.memory_space<hbm>>) target_semaphore(%arg6 : memref<!tpu.dma_semaphore, #tpu.memory_space<semaphore_mem>>)
      } else {
      }
      %mul3A_107 = arith.constant 16 : i32
      %mul3A_108 = arith.muli %while3A_86, %mul3A_107 : i32
      %add3A_109 = arith.constant 2 : i32
      %add3A_110 = arith.addi %mul3A_108, %add3A_109 : i32
      %lt3A_111 = arith.cmpi slt, %add3A_110, %select_n3A_42 : i32
      %convert_element_type3A_112 = arith.extui %lt3A_111 : i1 to i32
      %cond3A_113 = arith.constant 0 : i32
      %cond3A_114 = arith.cmpi ne, %convert_element_type3A_112, %cond3A_113 : i32
      scf.if %cond3A_114 {
        %slice3A = vector.extract_strided_slice %get3A_90 {offsets = [2], sizes = [1], strides = [1]} : vector<16xi32> to vector<1xi32>
        %squeeze3A = vector.extract %slice3A[0] : i32 from vector<1xi32>
        %add3A_219 = arith.addi %add3A_37, %add3A_110 : i32
        %dma_start3A = arith.constant 0 : i32
        %dma_start3A_220 = tpu.memref_slice %arg4[%add3A_219, %dma_start3A] : memref<14400x256xf32, #tpu.memory_space<hbm>> -> memref<1x256xf32, #tpu.memory_space<hbm>>
        %dma_start3A_221 = arith.constant 0 : i32
        %dma_start3A_222 = tpu.memref_slice %arg2[%squeeze3A, %dma_start3A_221] : memref<2056x256xf32, #tpu.memory_space<hbm>> -> memref<1x256xf32, #tpu.memory_space<hbm>>
        tpu.enqueue_dma source(%dma_start3A_222 : memref<1x256xf32, #tpu.memory_space<hbm>>) target(%dma_start3A_220 : memref<1x256xf32, #tpu.memory_space<hbm>>) target_semaphore(%arg6 : memref<!tpu.dma_semaphore, #tpu.memory_space<semaphore_mem>>)
      } else {
      }
      %mul3A_115 = arith.constant 16 : i32
      %mul3A_116 = arith.muli %while3A_86, %mul3A_115 : i32
      %add3A_117 = arith.constant 3 : i32
      %add3A_118 = arith.addi %mul3A_116, %add3A_117 : i32
      %lt3A_119 = arith.cmpi slt, %add3A_118, %select_n3A_42 : i32
      %convert_element_type3A_120 = arith.extui %lt3A_119 : i1 to i32
      %cond3A_121 = arith.constant 0 : i32
      %cond3A_122 = arith.cmpi ne, %convert_element_type3A_120, %cond3A_121 : i32
      scf.if %cond3A_122 {
        %slice3A = vector.extract_strided_slice %get3A_90 {offsets = [3], sizes = [1], strides = [1]} : vector<16xi32> to vector<1xi32>
        %squeeze3A = vector.extract %slice3A[0] : i32 from vector<1xi32>
        %add3A_219 = arith.addi %add3A_37, %add3A_118 : i32
        %dma_start3A = arith.constant 0 : i32
        %dma_start3A_220 = tpu.memref_slice %arg4[%add3A_219, %dma_start3A] : memref<14400x256xf32, #tpu.memory_space<hbm>> -> memref<1x256xf32, #tpu.memory_space<hbm>>
        %dma_start3A_221 = arith.constant 0 : i32
        %dma_start3A_222 = tpu.memref_slice %arg2[%squeeze3A, %dma_start3A_221] : memref<2056x256xf32, #tpu.memory_space<hbm>> -> memref<1x256xf32, #tpu.memory_space<hbm>>
        tpu.enqueue_dma source(%dma_start3A_222 : memref<1x256xf32, #tpu.memory_space<hbm>>) target(%dma_start3A_220 : memref<1x256xf32, #tpu.memory_space<hbm>>) target_semaphore(%arg6 : memref<!tpu.dma_semaphore, #tpu.memory_space<semaphore_mem>>)
      } else {
      }
      %mul3A_123 = arith.constant 16 : i32
      %mul3A_124 = arith.muli %while3A_86, %mul3A_123 : i32
      %add3A_125 = arith.constant 4 : i32
      %add3A_126 = arith.addi %mul3A_124, %add3A_125 : i32
      %lt3A_127 = arith.cmpi slt, %add3A_126, %select_n3A_42 : i32
      %convert_element_type3A_128 = arith.extui %lt3A_127 : i1 to i32
      %cond3A_129 = arith.constant 0 : i32
      %cond3A_130 = arith.cmpi ne, %convert_element_type3A_128, %cond3A_129 : i32
      scf.if %cond3A_130 {
        %slice3A = vector.extract_strided_slice %get3A_90 {offsets = [4], sizes = [1], strides = [1]} : vector<16xi32> to vector<1xi32>
        %squeeze3A = vector.extract %slice3A[0] : i32 from vector<1xi32>
        %add3A_219 = arith.addi %add3A_37, %add3A_126 : i32
        %dma_start3A = arith.constant 0 : i32
        %dma_start3A_220 = tpu.memref_slice %arg4[%add3A_219, %dma_start3A] : memref<14400x256xf32, #tpu.memory_space<hbm>> -> memref<1x256xf32, #tpu.memory_space<hbm>>
        %dma_start3A_221 = arith.constant 0 : i32
        %dma_start3A_222 = tpu.memref_slice %arg2[%squeeze3A, %dma_start3A_221] : memref<2056x256xf32, #tpu.memory_space<hbm>> -> memref<1x256xf32, #tpu.memory_space<hbm>>
        tpu.enqueue_dma source(%dma_start3A_222 : memref<1x256xf32, #tpu.memory_space<hbm>>) target(%dma_start3A_220 : memref<1x256xf32, #tpu.memory_space<hbm>>) target_semaphore(%arg6 : memref<!tpu.dma_semaphore, #tpu.memory_space<semaphore_mem>>)
      } else {
      }
      %mul3A_131 = arith.constant 16 : i32
      %mul3A_132 = arith.muli %while3A_86, %mul3A_131 : i32
      %add3A_133 = arith.constant 5 : i32
      %add3A_134 = arith.addi %mul3A_132, %add3A_133 : i32
      %lt3A_135 = arith.cmpi slt, %add3A_134, %select_n3A_42 : i32
      %convert_element_type3A_136 = arith.extui %lt3A_135 : i1 to i32
      %cond3A_137 = arith.constant 0 : i32
      %cond3A_138 = arith.cmpi ne, %convert_element_type3A_136, %cond3A_137 : i32
      scf.if %cond3A_138 {
        %slice3A = vector.extract_strided_slice %get3A_90 {offsets = [5], sizes = [1], strides = [1]} : vector<16xi32> to vector<1xi32>
        %squeeze3A = vector.extract %slice3A[0] : i32 from vector<1xi32>
        %add3A_219 = arith.addi %add3A_37, %add3A_134 : i32
        %dma_start3A = arith.constant 0 : i32
        %dma_start3A_220 = tpu.memref_slice %arg4[%add3A_219, %dma_start3A] : memref<14400x256xf32, #tpu.memory_space<hbm>> -> memref<1x256xf32, #tpu.memory_space<hbm>>
        %dma_start3A_221 = arith.constant 0 : i32
        %dma_start3A_222 = tpu.memref_slice %arg2[%squeeze3A, %dma_start3A_221] : memref<2056x256xf32, #tpu.memory_space<hbm>> -> memref<1x256xf32, #tpu.memory_space<hbm>>
        tpu.enqueue_dma source(%dma_start3A_222 : memref<1x256xf32, #tpu.memory_space<hbm>>) target(%dma_start3A_220 : memref<1x256xf32, #tpu.memory_space<hbm>>) target_semaphore(%arg6 : memref<!tpu.dma_semaphore, #tpu.memory_space<semaphore_mem>>)
      } else {
      }
      %mul3A_139 = arith.constant 16 : i32
      %mul3A_140 = arith.muli %while3A_86, %mul3A_139 : i32
      %add3A_141 = arith.constant 6 : i32
      %add3A_142 = arith.addi %mul3A_140, %add3A_141 : i32
      %lt3A_143 = arith.cmpi slt, %add3A_142, %select_n3A_42 : i32
      %convert_element_type3A_144 = arith.extui %lt3A_143 : i1 to i32
      %cond3A_145 = arith.constant 0 : i32
      %cond3A_146 = arith.cmpi ne, %convert_element_type3A_144, %cond3A_145 : i32
      scf.if %cond3A_146 {
        %slice3A = vector.extract_strided_slice %get3A_90 {offsets = [6], sizes = [1], strides = [1]} : vector<16xi32> to vector<1xi32>
        %squeeze3A = vector.extract %slice3A[0] : i32 from vector<1xi32>
        %add3A_219 = arith.addi %add3A_37, %add3A_142 : i32
        %dma_start3A = arith.constant 0 : i32
        %dma_start3A_220 = tpu.memref_slice %arg4[%add3A_219, %dma_start3A] : memref<14400x256xf32, #tpu.memory_space<hbm>> -> memref<1x256xf32, #tpu.memory_space<hbm>>
        %dma_start3A_221 = arith.constant 0 : i32
        %dma_start3A_222 = tpu.memref_slice %arg2[%squeeze3A, %dma_start3A_221] : memref<2056x256xf32, #tpu.memory_space<hbm>> -> memref<1x256xf32, #tpu.memory_space<hbm>>
        tpu.enqueue_dma source(%dma_start3A_222 : memref<1x256xf32, #tpu.memory_space<hbm>>) target(%dma_start3A_220 : memref<1x256xf32, #tpu.memory_space<hbm>>) target_semaphore(%arg6 : memref<!tpu.dma_semaphore, #tpu.memory_space<semaphore_mem>>)
      } else {
      }
      %mul3A_147 = arith.constant 16 : i32
      %mul3A_148 = arith.muli %while3A_86, %mul3A_147 : i32
      %add3A_149 = arith.constant 7 : i32
      %add3A_150 = arith.addi %mul3A_148, %add3A_149 : i32
      %lt3A_151 = arith.cmpi slt, %add3A_150, %select_n3A_42 : i32
      %convert_element_type3A_152 = arith.extui %lt3A_151 : i1 to i32
      %cond3A_153 = arith.constant 0 : i32
      %cond3A_154 = arith.cmpi ne, %convert_element_type3A_152, %cond3A_153 : i32
      scf.if %cond3A_154 {
        %slice3A = vector.extract_strided_slice %get3A_90 {offsets = [7], sizes = [1], strides = [1]} : vector<16xi32> to vector<1xi32>
        %squeeze3A = vector.extract %slice3A[0] : i32 from vector<1xi32>
        %add3A_219 = arith.addi %add3A_37, %add3A_150 : i32
        %dma_start3A = arith.constant 0 : i32
        %dma_start3A_220 = tpu.memref_slice %arg4[%add3A_219, %dma_start3A] : memref<14400x256xf32, #tpu.memory_space<hbm>> -> memref<1x256xf32, #tpu.memory_space<hbm>>
        %dma_start3A_221 = arith.constant 0 : i32
        %dma_start3A_222 = tpu.memref_slice %arg2[%squeeze3A, %dma_start3A_221] : memref<2056x256xf32, #tpu.memory_space<hbm>> -> memref<1x256xf32, #tpu.memory_space<hbm>>
        tpu.enqueue_dma source(%dma_start3A_222 : memref<1x256xf32, #tpu.memory_space<hbm>>) target(%dma_start3A_220 : memref<1x256xf32, #tpu.memory_space<hbm>>) target_semaphore(%arg6 : memref<!tpu.dma_semaphore, #tpu.memory_space<semaphore_mem>>)
      } else {
      }
      %mul3A_155 = arith.constant 16 : i32
      %mul3A_156 = arith.muli %while3A_86, %mul3A_155 : i32
      %add3A_157 = arith.constant 8 : i32
      %add3A_158 = arith.addi %mul3A_156, %add3A_157 : i32
      %lt3A_159 = arith.cmpi slt, %add3A_158, %select_n3A_42 : i32
      %convert_element_type3A_160 = arith.extui %lt3A_159 : i1 to i32
      %cond3A_161 = arith.constant 0 : i32
      %cond3A_162 = arith.cmpi ne, %convert_element_type3A_160, %cond3A_161 : i32
      scf.if %cond3A_162 {
        %slice3A = vector.extract_strided_slice %get3A_90 {offsets = [8], sizes = [1], strides = [1]} : vector<16xi32> to vector<1xi32>
        %squeeze3A = vector.extract %slice3A[0] : i32 from vector<1xi32>
        %add3A_219 = arith.addi %add3A_37, %add3A_158 : i32
        %dma_start3A = arith.constant 0 : i32
        %dma_start3A_220 = tpu.memref_slice %arg4[%add3A_219, %dma_start3A] : memref<14400x256xf32, #tpu.memory_space<hbm>> -> memref<1x256xf32, #tpu.memory_space<hbm>>
        %dma_start3A_221 = arith.constant 0 : i32
        %dma_start3A_222 = tpu.memref_slice %arg2[%squeeze3A, %dma_start3A_221] : memref<2056x256xf32, #tpu.memory_space<hbm>> -> memref<1x256xf32, #tpu.memory_space<hbm>>
        tpu.enqueue_dma source(%dma_start3A_222 : memref<1x256xf32, #tpu.memory_space<hbm>>) target(%dma_start3A_220 : memref<1x256xf32, #tpu.memory_space<hbm>>) target_semaphore(%arg6 : memref<!tpu.dma_semaphore, #tpu.memory_space<semaphore_mem>>)
      } else {
      }
      %mul3A_163 = arith.constant 16 : i32
      %mul3A_164 = arith.muli %while3A_86, %mul3A_163 : i32
      %add3A_165 = arith.constant 9 : i32
      %add3A_166 = arith.addi %mul3A_164, %add3A_165 : i32
      %lt3A_167 = arith.cmpi slt, %add3A_166, %select_n3A_42 : i32
      %convert_element_type3A_168 = arith.extui %lt3A_167 : i1 to i32
      %cond3A_169 = arith.constant 0 : i32
      %cond3A_170 = arith.cmpi ne, %convert_element_type3A_168, %cond3A_169 : i32
      scf.if %cond3A_170 {
        %slice3A = vector.extract_strided_slice %get3A_90 {offsets = [9], sizes = [1], strides = [1]} : vector<16xi32> to vector<1xi32>
        %squeeze3A = vector.extract %slice3A[0] : i32 from vector<1xi32>
        %add3A_219 = arith.addi %add3A_37, %add3A_166 : i32
        %dma_start3A = arith.constant 0 : i32
        %dma_start3A_220 = tpu.memref_slice %arg4[%add3A_219, %dma_start3A] : memref<14400x256xf32, #tpu.memory_space<hbm>> -> memref<1x256xf32, #tpu.memory_space<hbm>>
        %dma_start3A_221 = arith.constant 0 : i32
        %dma_start3A_222 = tpu.memref_slice %arg2[%squeeze3A, %dma_start3A_221] : memref<2056x256xf32, #tpu.memory_space<hbm>> -> memref<1x256xf32, #tpu.memory_space<hbm>>
        tpu.enqueue_dma source(%dma_start3A_222 : memref<1x256xf32, #tpu.memory_space<hbm>>) target(%dma_start3A_220 : memref<1x256xf32, #tpu.memory_space<hbm>>) target_semaphore(%arg6 : memref<!tpu.dma_semaphore, #tpu.memory_space<semaphore_mem>>)
      } else {
      }
      %mul3A_171 = arith.constant 16 : i32
      %mul3A_172 = arith.muli %while3A_86, %mul3A_171 : i32
      %add3A_173 = arith.constant 10 : i32
      %add3A_174 = arith.addi %mul3A_172, %add3A_173 : i32
      %lt3A_175 = arith.cmpi slt, %add3A_174, %select_n3A_42 : i32
      %convert_element_type3A_176 = arith.extui %lt3A_175 : i1 to i32
      %cond3A_177 = arith.constant 0 : i32
      %cond3A_178 = arith.cmpi ne, %convert_element_type3A_176, %cond3A_177 : i32
      scf.if %cond3A_178 {
        %slice3A = vector.extract_strided_slice %get3A_90 {offsets = [10], sizes = [1], strides = [1]} : vector<16xi32> to vector<1xi32>
        %squeeze3A = vector.extract %slice3A[0] : i32 from vector<1xi32>
        %add3A_219 = arith.addi %add3A_37, %add3A_174 : i32
        %dma_start3A = arith.constant 0 : i32
        %dma_start3A_220 = tpu.memref_slice %arg4[%add3A_219, %dma_start3A] : memref<14400x256xf32, #tpu.memory_space<hbm>> -> memref<1x256xf32, #tpu.memory_space<hbm>>
        %dma_start3A_221 = arith.constant 0 : i32
        %dma_start3A_222 = tpu.memref_slice %arg2[%squeeze3A, %dma_start3A_221] : memref<2056x256xf32, #tpu.memory_space<hbm>> -> memref<1x256xf32, #tpu.memory_space<hbm>>
        tpu.enqueue_dma source(%dma_start3A_222 : memref<1x256xf32, #tpu.memory_space<hbm>>) target(%dma_start3A_220 : memref<1x256xf32, #tpu.memory_space<hbm>>) target_semaphore(%arg6 : memref<!tpu.dma_semaphore, #tpu.memory_space<semaphore_mem>>)
      } else {
      }
      %mul3A_179 = arith.constant 16 : i32
      %mul3A_180 = arith.muli %while3A_86, %mul3A_179 : i32
      %add3A_181 = arith.constant 11 : i32
      %add3A_182 = arith.addi %mul3A_180, %add3A_181 : i32
      %lt3A_183 = arith.cmpi slt, %add3A_182, %select_n3A_42 : i32
      %convert_element_type3A_184 = arith.extui %lt3A_183 : i1 to i32
      %cond3A_185 = arith.constant 0 : i32
      %cond3A_186 = arith.cmpi ne, %convert_element_type3A_184, %cond3A_185 : i32
      scf.if %cond3A_186 {
        %slice3A = vector.extract_strided_slice %get3A_90 {offsets = [11], sizes = [1], strides = [1]} : vector<16xi32> to vector<1xi32>
        %squeeze3A = vector.extract %slice3A[0] : i32 from vector<1xi32>
        %add3A_219 = arith.addi %add3A_37, %add3A_182 : i32
        %dma_start3A = arith.constant 0 : i32
        %dma_start3A_220 = tpu.memref_slice %arg4[%add3A_219, %dma_start3A] : memref<14400x256xf32, #tpu.memory_space<hbm>> -> memref<1x256xf32, #tpu.memory_space<hbm>>
        %dma_start3A_221 = arith.constant 0 : i32
        %dma_start3A_222 = tpu.memref_slice %arg2[%squeeze3A, %dma_start3A_221] : memref<2056x256xf32, #tpu.memory_space<hbm>> -> memref<1x256xf32, #tpu.memory_space<hbm>>
        tpu.enqueue_dma source(%dma_start3A_222 : memref<1x256xf32, #tpu.memory_space<hbm>>) target(%dma_start3A_220 : memref<1x256xf32, #tpu.memory_space<hbm>>) target_semaphore(%arg6 : memref<!tpu.dma_semaphore, #tpu.memory_space<semaphore_mem>>)
      } else {
      }
      %mul3A_187 = arith.constant 16 : i32
      %mul3A_188 = arith.muli %while3A_86, %mul3A_187 : i32
      %add3A_189 = arith.constant 12 : i32
      %add3A_190 = arith.addi %mul3A_188, %add3A_189 : i32
      %lt3A_191 = arith.cmpi slt, %add3A_190, %select_n3A_42 : i32
      %convert_element_type3A_192 = arith.extui %lt3A_191 : i1 to i32
      %cond3A_193 = arith.constant 0 : i32
      %cond3A_194 = arith.cmpi ne, %convert_element_type3A_192, %cond3A_193 : i32
      scf.if %cond3A_194 {
        %slice3A = vector.extract_strided_slice %get3A_90 {offsets = [12], sizes = [1], strides = [1]} : vector<16xi32> to vector<1xi32>
        %squeeze3A = vector.extract %slice3A[0] : i32 from vector<1xi32>
        %add3A_219 = arith.addi %add3A_37, %add3A_190 : i32
        %dma_start3A = arith.constant 0 : i32
        %dma_start3A_220 = tpu.memref_slice %arg4[%add3A_219, %dma_start3A] : memref<14400x256xf32, #tpu.memory_space<hbm>> -> memref<1x256xf32, #tpu.memory_space<hbm>>
        %dma_start3A_221 = arith.constant 0 : i32
        %dma_start3A_222 = tpu.memref_slice %arg2[%squeeze3A, %dma_start3A_221] : memref<2056x256xf32, #tpu.memory_space<hbm>> -> memref<1x256xf32, #tpu.memory_space<hbm>>
        tpu.enqueue_dma source(%dma_start3A_222 : memref<1x256xf32, #tpu.memory_space<hbm>>) target(%dma_start3A_220 : memref<1x256xf32, #tpu.memory_space<hbm>>) target_semaphore(%arg6 : memref<!tpu.dma_semaphore, #tpu.memory_space<semaphore_mem>>)
      } else {
      }
      %mul3A_195 = arith.constant 16 : i32
      %mul3A_196 = arith.muli %while3A_86, %mul3A_195 : i32
      %add3A_197 = arith.constant 13 : i32
      %add3A_198 = arith.addi %mul3A_196, %add3A_197 : i32
      %lt3A_199 = arith.cmpi slt, %add3A_198, %select_n3A_42 : i32
      %convert_element_type3A_200 = arith.extui %lt3A_199 : i1 to i32
      %cond3A_201 = arith.constant 0 : i32
      %cond3A_202 = arith.cmpi ne, %convert_element_type3A_200, %cond3A_201 : i32
      scf.if %cond3A_202 {
        %slice3A = vector.extract_strided_slice %get3A_90 {offsets = [13], sizes = [1], strides = [1]} : vector<16xi32> to vector<1xi32>
        %squeeze3A = vector.extract %slice3A[0] : i32 from vector<1xi32>
        %add3A_219 = arith.addi %add3A_37, %add3A_198 : i32
        %dma_start3A = arith.constant 0 : i32
        %dma_start3A_220 = tpu.memref_slice %arg4[%add3A_219, %dma_start3A] : memref<14400x256xf32, #tpu.memory_space<hbm>> -> memref<1x256xf32, #tpu.memory_space<hbm>>
        %dma_start3A_221 = arith.constant 0 : i32
        %dma_start3A_222 = tpu.memref_slice %arg2[%squeeze3A, %dma_start3A_221] : memref<2056x256xf32, #tpu.memory_space<hbm>> -> memref<1x256xf32, #tpu.memory_space<hbm>>
        tpu.enqueue_dma source(%dma_start3A_222 : memref<1x256xf32, #tpu.memory_space<hbm>>) target(%dma_start3A_220 : memref<1x256xf32, #tpu.memory_space<hbm>>) target_semaphore(%arg6 : memref<!tpu.dma_semaphore, #tpu.memory_space<semaphore_mem>>)
      } else {
      }
      %mul3A_203 = arith.constant 16 : i32
      %mul3A_204 = arith.muli %while3A_86, %mul3A_203 : i32
      %add3A_205 = arith.constant 14 : i32
      %add3A_206 = arith.addi %mul3A_204, %add3A_205 : i32
      %lt3A_207 = arith.cmpi slt, %add3A_206, %select_n3A_42 : i32
      %convert_element_type3A_208 = arith.extui %lt3A_207 : i1 to i32
      %cond3A_209 = arith.constant 0 : i32
      %cond3A_210 = arith.cmpi ne, %convert_element_type3A_208, %cond3A_209 : i32
      scf.if %cond3A_210 {
        %slice3A = vector.extract_strided_slice %get3A_90 {offsets = [14], sizes = [1], strides = [1]} : vector<16xi32> to vector<1xi32>
        %squeeze3A = vector.extract %slice3A[0] : i32 from vector<1xi32>
        %add3A_219 = arith.addi %add3A_37, %add3A_206 : i32
        %dma_start3A = arith.constant 0 : i32
        %dma_start3A_220 = tpu.memref_slice %arg4[%add3A_219, %dma_start3A] : memref<14400x256xf32, #tpu.memory_space<hbm>> -> memref<1x256xf32, #tpu.memory_space<hbm>>
        %dma_start3A_221 = arith.constant 0 : i32
        %dma_start3A_222 = tpu.memref_slice %arg2[%squeeze3A, %dma_start3A_221] : memref<2056x256xf32, #tpu.memory_space<hbm>> -> memref<1x256xf32, #tpu.memory_space<hbm>>
        tpu.enqueue_dma source(%dma_start3A_222 : memref<1x256xf32, #tpu.memory_space<hbm>>) target(%dma_start3A_220 : memref<1x256xf32, #tpu.memory_space<hbm>>) target_semaphore(%arg6 : memref<!tpu.dma_semaphore, #tpu.memory_space<semaphore_mem>>)
      } else {
      }
      %mul3A_211 = arith.constant 16 : i32
      %mul3A_212 = arith.muli %while3A_86, %mul3A_211 : i32
      %add3A_213 = arith.constant 15 : i32
      %add3A_214 = arith.addi %mul3A_212, %add3A_213 : i32
      %lt3A_215 = arith.cmpi slt, %add3A_214, %select_n3A_42 : i32
      %convert_element_type3A_216 = arith.extui %lt3A_215 : i1 to i32
      %cond3A_217 = arith.constant 0 : i32
      %cond3A_218 = arith.cmpi ne, %convert_element_type3A_216, %cond3A_217 : i32
      scf.if %cond3A_218 {
        %slice3A = vector.extract_strided_slice %get3A_90 {offsets = [15], sizes = [1], strides = [1]} : vector<16xi32> to vector<1xi32>
        %squeeze3A = vector.extract %slice3A[0] : i32 from vector<1xi32>
        %add3A_219 = arith.addi %add3A_37, %add3A_214 : i32
        %dma_start3A = arith.constant 0 : i32
        %dma_start3A_220 = tpu.memref_slice %arg4[%add3A_219, %dma_start3A] : memref<14400x256xf32, #tpu.memory_space<hbm>> -> memref<1x256xf32, #tpu.memory_space<hbm>>
        %dma_start3A_221 = arith.constant 0 : i32
        %dma_start3A_222 = tpu.memref_slice %arg2[%squeeze3A, %dma_start3A_221] : memref<2056x256xf32, #tpu.memory_space<hbm>> -> memref<1x256xf32, #tpu.memory_space<hbm>>
        tpu.enqueue_dma source(%dma_start3A_222 : memref<1x256xf32, #tpu.memory_space<hbm>>) target(%dma_start3A_220 : memref<1x256xf32, #tpu.memory_space<hbm>>) target_semaphore(%arg6 : memref<!tpu.dma_semaphore, #tpu.memory_space<semaphore_mem>>)
      } else {
      }
    }
    %eq3A_78 = arith.constant 7 : i32
    %eq3A_79 = arith.cmpi eq, %select_n3A_30, %eq3A_78 : i32
    %convert_element_type3A = arith.extui %eq3A_79 : i1 to i32
    %cond3A = arith.constant 0 : i32
    %cond3A_80 = arith.cmpi ne, %convert_element_type3A, %cond3A : i32
    scf.if %cond3A_80 {
      %dma_wait3A = arith.constant 0 : i32
      %dma_wait3A_86 = tpu.memref_slice %arg4[%add3A_37, %dma_wait3A] : memref<14400x256xf32, #tpu.memory_space<hbm>> -> memref<408x256xf32, #tpu.memory_space<hbm>>
      %dma_wait3A_87 = arith.constant 0 : i32
      %dma_wait3A_88 = tpu.memref_slice %arg4[%add3A_37, %dma_wait3A_87] : memref<14400x256xf32, #tpu.memory_space<hbm>> -> memref<408x256xf32, #tpu.memory_space<hbm>>
      tpu.wait_dma2 semaphore(%arg6 : memref<!tpu.dma_semaphore, #tpu.memory_space<semaphore_mem>>) src(%dma_wait3A_88 : memref<408x256xf32, #tpu.memory_space<hbm>>) dst(%dma_wait3A_86 : memref<408x256xf32, #tpu.memory_space<hbm>>)
    } else {
    }
    %ne3A_81 = arith.constant 7 : i32
    %ne3A_82 = arith.cmpi ne, %select_n3A_30, %ne3A_81 : i32
    %convert_element_type3A_83 = arith.extui %ne3A_82 : i1 to i32
    %cond3A_84 = arith.constant 0 : i32
    %cond3A_85 = arith.cmpi ne, %convert_element_type3A_83, %cond3A_84 : i32
    scf.if %cond3A_85 {
      %dma_wait3A = arith.constant 0 : i32
      %dma_wait3A_86 = tpu.memref_slice %arg4[%add3A_37, %dma_wait3A] : memref<14400x256xf32, #tpu.memory_space<hbm>> -> memref<456x256xf32, #tpu.memory_space<hbm>>
      %dma_wait3A_87 = arith.constant 0 : i32
      %dma_wait3A_88 = tpu.memref_slice %arg4[%add3A_37, %dma_wait3A_87] : memref<14400x256xf32, #tpu.memory_space<hbm>> -> memref<456x256xf32, #tpu.memory_space<hbm>>
      tpu.wait_dma2 semaphore(%arg6 : memref<!tpu.dma_semaphore, #tpu.memory_space<semaphore_mem>>) src(%dma_wait3A_88 : memref<456x256xf32, #tpu.memory_space<hbm>>) dst(%dma_wait3A_86 : memref<456x256xf32, #tpu.memory_space<hbm>>)
    } else {
    }
    return
  }
}

module attributes {stable_mosaic.version = 14 : i64} {
  func.func @_tc_body(%arg0: i32, %arg1: memref<1x1xi32, #tpu.memory_space<smem>>, %arg2: memref<1x512x256xf32, #tpu.memory_space<vmem>>, %arg3: memref<1x1x512xi32, #tpu.memory_space<vmem>>, %arg4: memref<3x256x256xf32, #tpu.memory_space<vmem>>, %arg5: memref<1x256xf32, #tpu.memory_space<vmem>>, %arg6: memref<1x256xf32, #tpu.memory_space<vmem>>, %arg7: memref<1x256xf32, #tpu.memory_space<vmem>>, %arg8: memref<3x256x256xf32, #tpu.memory_space<vmem>>, %arg9: memref<1x256xf32, #tpu.memory_space<vmem>>, %arg10: memref<1x256xf32, #tpu.memory_space<vmem>>, %arg11: memref<1x256xf32, #tpu.memory_space<vmem>>, %arg12: memref<256x1xf32, #tpu.memory_space<vmem>>, %arg13: memref<1x1xf32, #tpu.memory_space<vmem>>, %arg14: memref<1x512x1xf32, #tpu.memory_space<vmem>>, %arg15: memref<1x3648x1xi32, #tpu.memory_space<vmem>>) attributes {dimension_semantics = [#tpu.dimension_semantics<arbitrary>], iteration_bounds = array<i64: 4>, scalar_prefetch = 0 : i64, scratch_operands = 0 : i64, tpu.core_type = #tpu.core_type<tc>, window_params = [{transform_indices = @transform_0, window_bounds = array<i64: 1, 1>}, {transform_indices = @transform_1, window_bounds = array<i64: 1, 512, 256>}, {transform_indices = @transform_2, window_bounds = array<i64: 1, 1, 512>}, {pipeline_mode = #tpu.pipeline_mode<synchronous>, transform_indices = @transform_3, window_bounds = array<i64: 3, 256, 256>}, {pipeline_mode = #tpu.pipeline_mode<synchronous>, transform_indices = @transform_4, window_bounds = array<i64: 1, 256>}, {pipeline_mode = #tpu.pipeline_mode<synchronous>, transform_indices = @transform_5, window_bounds = array<i64: 1, 256>}, {pipeline_mode = #tpu.pipeline_mode<synchronous>, transform_indices = @transform_6, window_bounds = array<i64: 1, 256>}, {pipeline_mode = #tpu.pipeline_mode<synchronous>, transform_indices = @transform_7, window_bounds = array<i64: 3, 256, 256>}, {pipeline_mode = #tpu.pipeline_mode<synchronous>, transform_indices = @transform_8, window_bounds = array<i64: 1, 256>}, {pipeline_mode = #tpu.pipeline_mode<synchronous>, transform_indices = @transform_9, window_bounds = array<i64: 1, 256>}, {pipeline_mode = #tpu.pipeline_mode<synchronous>, transform_indices = @transform_10, window_bounds = array<i64: 1, 256>}, {pipeline_mode = #tpu.pipeline_mode<synchronous>, transform_indices = @transform_11, window_bounds = array<i64: 256, 1>}, {pipeline_mode = #tpu.pipeline_mode<synchronous>, transform_indices = @transform_12, window_bounds = array<i64: 1, 1>}, {transform_indices = @transform_13, window_bounds = array<i64: 1, 512, 1>}, {transform_indices = @transform_14, window_bounds = array<i64: 1, 3648, 1>}]} {
    %get3A = arith.constant 0 : index
    %get3A_0 = arith.constant 0 : index
    %get3A_1 = arith.constant 0 : index
    %get3A_2 = vector.load %arg2[%get3A, %get3A_0, %get3A_1] : memref<1x512x256xf32, #tpu.memory_space<vmem>>, vector<1x512x256xf32>
    %get3A_3 = vector.shape_cast %get3A_2 : vector<1x512x256xf32> to vector<512x256xf32>
    %broadcast_in_dim3A = arith.constant 0.000000e+00 : f32
    %broadcast_in_dim3A_4 = vector.broadcast %broadcast_in_dim3A : f32 to vector<1x256xf32>
    %slice3A = vector.extract_strided_slice %get3A_3 {offsets = [0, 0], sizes = [511, 256], strides = [1, 1]} : vector<512x256xf32> to vector<511x256xf32>
    %concatenate3A = tpu.concatenate %broadcast_in_dim3A_4, %slice3A in 0 : vector<1x256xf32>, vector<511x256xf32> -> vector<512x256xf32>
    %slice3A_5 = vector.extract_strided_slice %get3A_3 {offsets = [1, 0], sizes = [511, 256], strides = [1, 1]} : vector<512x256xf32> to vector<511x256xf32>
    %concatenate3A_6 = tpu.concatenate %slice3A_5, %broadcast_in_dim3A_4 in 0 : vector<511x256xf32>, vector<1x256xf32> -> vector<512x256xf32>
    %get3A_7 = arith.constant 0 : index
    %get3A_8 = arith.constant 0 : index
    %get3A_9 = arith.constant 0 : index
    %get3A_10 = vector.load %arg4[%get3A_7, %get3A_8, %get3A_9] : memref<3x256x256xf32, #tpu.memory_space<vmem>>, vector<1x256x256xf32>
    %get3A_11 = vector.shape_cast %get3A_10 : vector<1x256x256xf32> to vector<256x256xf32>
    %dot_general3A = arith.constant dense<0.000000e+00> : vector<512x256xf32>
    %dot_general3A_12 = tpu.matmul %concatenate3A, %get3A_11, %dot_general3A {dimension_numbers = #tpu.dot_dimension_numbers<[1], [0], [0], [1], [0, 0, 1, 1], [], []>, transpose_lhs_hint = false} : vector<512x256xf32>, vector<256x256xf32>, vector<512x256xf32> -> vector<512x256xf32>
    %get3A_13 = arith.constant 1 : index
    %get3A_14 = arith.constant 0 : index
    %get3A_15 = arith.constant 0 : index
    %get3A_16 = vector.load %arg4[%get3A_13, %get3A_14, %get3A_15] : memref<3x256x256xf32, #tpu.memory_space<vmem>>, vector<1x256x256xf32>
    %get3A_17 = vector.shape_cast %get3A_16 : vector<1x256x256xf32> to vector<256x256xf32>
    %dot_general3A_18 = arith.constant dense<0.000000e+00> : vector<512x256xf32>
    %dot_general3A_19 = tpu.matmul %get3A_3, %get3A_17, %dot_general3A_18 {dimension_numbers = #tpu.dot_dimension_numbers<[1], [0], [0], [1], [0, 0, 1, 1], [], []>, transpose_lhs_hint = false} : vector<512x256xf32>, vector<256x256xf32>, vector<512x256xf32> -> vector<512x256xf32>
    %add3A = arith.addf %dot_general3A_12, %dot_general3A_19 : vector<512x256xf32>
    %get3A_20 = arith.constant 2 : index
    %get3A_21 = arith.constant 0 : index
    %get3A_22 = arith.constant 0 : index
    %get3A_23 = vector.load %arg4[%get3A_20, %get3A_21, %get3A_22] : memref<3x256x256xf32, #tpu.memory_space<vmem>>, vector<1x256x256xf32>
    %get3A_24 = vector.shape_cast %get3A_23 : vector<1x256x256xf32> to vector<256x256xf32>
    %dot_general3A_25 = arith.constant dense<0.000000e+00> : vector<512x256xf32>
    %dot_general3A_26 = tpu.matmul %concatenate3A_6, %get3A_24, %dot_general3A_25 {dimension_numbers = #tpu.dot_dimension_numbers<[1], [0], [0], [1], [0, 0, 1, 1], [], []>, transpose_lhs_hint = false} : vector<512x256xf32>, vector<256x256xf32>, vector<512x256xf32> -> vector<512x256xf32>
    %add3A_27 = arith.addf %add3A, %dot_general3A_26 : vector<512x256xf32>
    %get3A_28 = arith.constant 0 : index
    %get3A_29 = arith.constant 0 : index
    %get3A_30 = vector.load %arg5[%get3A_28, %get3A_29] : memref<1x256xf32, #tpu.memory_space<vmem>>, vector<1x256xf32>
    %add3A_31 = vector.broadcast %get3A_30 : vector<1x256xf32> to vector<512x256xf32>
    %add3A_32 = arith.addf %add3A_27, %add3A_31 : vector<512x256xf32>
    %get3A_33 = arith.constant 0 : index
    %get3A_34 = arith.constant 0 : index
    %get3A_35 = vector.load %arg6[%get3A_33, %get3A_34] : memref<1x256xf32, #tpu.memory_space<vmem>>, vector<1x256xf32>
    %get3A_36 = arith.constant 0 : index
    %get3A_37 = arith.constant 0 : index
    %get3A_38 = vector.load %arg7[%get3A_36, %get3A_37] : memref<1x256xf32, #tpu.memory_space<vmem>>, vector<1x256xf32>
    %reduce_sum3A = arith.constant dense<0.000000e+00> : vector<512xf32>
    %reduce_sum3A_39 = vector.multi_reduction <add>, %add3A_32, %reduce_sum3A [1] : vector<512x256xf32> to vector<512xf32>
    %broadcast_in_dim3A_40 = vector.shape_cast %reduce_sum3A_39 : vector<512xf32> to vector<512x1xf32>
    %div3A = arith.constant 2.560000e+02 : f32
    %div3A_41 = vector.broadcast %div3A : f32 to vector<512x1xf32>
    %div3A_42 = arith.divf %broadcast_in_dim3A_40, %div3A_41 : vector<512x1xf32>
    %jit3A = arith.constant 0 : i32
    %reduce_sum3A_43 = arith.constant dense<0.000000e+00> : vector<512xf32>
    %reduce_sum3A_44 = vector.multi_reduction <add>, %add3A_32, %reduce_sum3A_43 [1] : vector<512x256xf32> to vector<512xf32>
    %broadcast_in_dim3A_45 = vector.shape_cast %reduce_sum3A_44 : vector<512xf32> to vector<512x1xf32>
    %div3A_46 = arith.constant 2.560000e+02 : f32
    %div3A_47 = vector.broadcast %div3A_46 : f32 to vector<512x1xf32>
    %div3A_48 = arith.divf %broadcast_in_dim3A_45, %div3A_47 : vector<512x1xf32>
    %sub3A = vector.broadcast %div3A_48 : vector<512x1xf32> to vector<512x256xf32>
    %sub3A_49 = arith.subf %add3A_32, %sub3A : vector<512x256xf32>
    %square3A = arith.mulf %sub3A_49, %sub3A_49 : vector<512x256xf32>
    %convert_element_type3A = arith.sitofp %jit3A : i32 to f32
    %sub3A_50 = arith.constant 2.560000e+02 : f32
    %sub3A_51 = arith.subf %sub3A_50, %convert_element_type3A : f32
    %reduce_sum3A_52 = arith.constant dense<0.000000e+00> : vector<512xf32>
    %reduce_sum3A_53 = vector.multi_reduction <add>, %square3A, %reduce_sum3A_52 [1] : vector<512x256xf32> to vector<512xf32>
    %broadcast_in_dim3A_54 = vector.shape_cast %reduce_sum3A_53 : vector<512xf32> to vector<512x1xf32>
    %div3A_55 = vector.broadcast %sub3A_51 : f32 to vector<512x1xf32>
    %div3A_56 = arith.divf %broadcast_in_dim3A_54, %div3A_55 : vector<512x1xf32>
    %gt3A = arith.constant 0.000000e+00 : f32
    %gt3A_57 = arith.cmpf ogt, %sub3A_51, %gt3A : f32
    %jit3A_58 = arith.constant 0x7FC00000 : f32
    %broadcast_in_dim3A_59 = vector.broadcast %jit3A_58 : f32 to vector<512x1xf32>
    %select_n3A = arith.select %gt3A_57, %div3A_56, %broadcast_in_dim3A_59 : vector<512x1xf32>
    %sub3A_60 = vector.broadcast %div3A_42 : vector<512x1xf32> to vector<512x256xf32>
    %sub3A_61 = arith.subf %add3A_32, %sub3A_60 : vector<512x256xf32>
    %add3A_62 = arith.constant 9.99999974E-6 : f32
    %add3A_63 = vector.broadcast %add3A_62 : f32 to vector<512x1xf32>
    %add3A_64 = arith.addf %select_n3A, %add3A_63 : vector<512x1xf32>
    %sqrt3A = math.sqrt %add3A_64 : vector<512x1xf32>
    %div3A_65 = vector.broadcast %sqrt3A : vector<512x1xf32> to vector<512x256xf32>
    %div3A_66 = arith.divf %sub3A_61, %div3A_65 : vector<512x256xf32>
    %mul3A = vector.broadcast %get3A_35 : vector<1x256xf32> to vector<512x256xf32>
    %mul3A_67 = arith.mulf %div3A_66, %mul3A : vector<512x256xf32>
    %add3A_68 = vector.broadcast %get3A_38 : vector<1x256xf32> to vector<512x256xf32>
    %add3A_69 = arith.addf %mul3A_67, %add3A_68 : vector<512x256xf32>
    %max3A = arith.constant 0.000000e+00 : f32
    %max3A_70 = vector.broadcast %max3A : f32 to vector<512x256xf32>
    %max3A_71 = arith.maximumf %add3A_69, %max3A_70 : vector<512x256xf32>
    %slice3A_72 = vector.extract_strided_slice %max3A_71 {offsets = [0, 0], sizes = [511, 256], strides = [1, 1]} : vector<512x256xf32> to vector<511x256xf32>
    %concatenate3A_73 = tpu.concatenate %broadcast_in_dim3A_4, %slice3A_72 in 0 : vector<1x256xf32>, vector<511x256xf32> -> vector<512x256xf32>
    %slice3A_74 = vector.extract_strided_slice %max3A_71 {offsets = [1, 0], sizes = [511, 256], strides = [1, 1]} : vector<512x256xf32> to vector<511x256xf32>
    %concatenate3A_75 = tpu.concatenate %slice3A_74, %broadcast_in_dim3A_4 in 0 : vector<511x256xf32>, vector<1x256xf32> -> vector<512x256xf32>
    %get3A_76 = arith.constant 0 : index
    %get3A_77 = arith.constant 0 : index
    %get3A_78 = arith.constant 0 : index
    %get3A_79 = vector.load %arg8[%get3A_76, %get3A_77, %get3A_78] : memref<3x256x256xf32, #tpu.memory_space<vmem>>, vector<1x256x256xf32>
    %get3A_80 = vector.shape_cast %get3A_79 : vector<1x256x256xf32> to vector<256x256xf32>
    %dot_general3A_81 = arith.constant dense<0.000000e+00> : vector<512x256xf32>
    %dot_general3A_82 = tpu.matmul %concatenate3A_73, %get3A_80, %dot_general3A_81 {dimension_numbers = #tpu.dot_dimension_numbers<[1], [0], [0], [1], [0, 0, 1, 1], [], []>, transpose_lhs_hint = false} : vector<512x256xf32>, vector<256x256xf32>, vector<512x256xf32> -> vector<512x256xf32>
    %get3A_83 = arith.constant 1 : index
    %get3A_84 = arith.constant 0 : index
    %get3A_85 = arith.constant 0 : index
    %get3A_86 = vector.load %arg8[%get3A_83, %get3A_84, %get3A_85] : memref<3x256x256xf32, #tpu.memory_space<vmem>>, vector<1x256x256xf32>
    %get3A_87 = vector.shape_cast %get3A_86 : vector<1x256x256xf32> to vector<256x256xf32>
    %dot_general3A_88 = arith.constant dense<0.000000e+00> : vector<512x256xf32>
    %dot_general3A_89 = tpu.matmul %max3A_71, %get3A_87, %dot_general3A_88 {dimension_numbers = #tpu.dot_dimension_numbers<[1], [0], [0], [1], [0, 0, 1, 1], [], []>, transpose_lhs_hint = false} : vector<512x256xf32>, vector<256x256xf32>, vector<512x256xf32> -> vector<512x256xf32>
    %add3A_90 = arith.addf %dot_general3A_82, %dot_general3A_89 : vector<512x256xf32>
    %get3A_91 = arith.constant 2 : index
    %get3A_92 = arith.constant 0 : index
    %get3A_93 = arith.constant 0 : index
    %get3A_94 = vector.load %arg8[%get3A_91, %get3A_92, %get3A_93] : memref<3x256x256xf32, #tpu.memory_space<vmem>>, vector<1x256x256xf32>
    %get3A_95 = vector.shape_cast %get3A_94 : vector<1x256x256xf32> to vector<256x256xf32>
    %dot_general3A_96 = arith.constant dense<0.000000e+00> : vector<512x256xf32>
    %dot_general3A_97 = tpu.matmul %concatenate3A_75, %get3A_95, %dot_general3A_96 {dimension_numbers = #tpu.dot_dimension_numbers<[1], [0], [0], [1], [0, 0, 1, 1], [], []>, transpose_lhs_hint = false} : vector<512x256xf32>, vector<256x256xf32>, vector<512x256xf32> -> vector<512x256xf32>
    %add3A_98 = arith.addf %add3A_90, %dot_general3A_97 : vector<512x256xf32>
    %get3A_99 = arith.constant 0 : index
    %get3A_100 = arith.constant 0 : index
    %get3A_101 = vector.load %arg9[%get3A_99, %get3A_100] : memref<1x256xf32, #tpu.memory_space<vmem>>, vector<1x256xf32>
    %add3A_102 = vector.broadcast %get3A_101 : vector<1x256xf32> to vector<512x256xf32>
    %add3A_103 = arith.addf %add3A_98, %add3A_102 : vector<512x256xf32>
    %get3A_104 = arith.constant 0 : index
    %get3A_105 = arith.constant 0 : index
    %get3A_106 = vector.load %arg10[%get3A_104, %get3A_105] : memref<1x256xf32, #tpu.memory_space<vmem>>, vector<1x256xf32>
    %get3A_107 = arith.constant 0 : index
    %get3A_108 = arith.constant 0 : index
    %get3A_109 = vector.load %arg11[%get3A_107, %get3A_108] : memref<1x256xf32, #tpu.memory_space<vmem>>, vector<1x256xf32>
    %reduce_sum3A_110 = arith.constant dense<0.000000e+00> : vector<512xf32>
    %reduce_sum3A_111 = vector.multi_reduction <add>, %add3A_103, %reduce_sum3A_110 [1] : vector<512x256xf32> to vector<512xf32>
    %broadcast_in_dim3A_112 = vector.shape_cast %reduce_sum3A_111 : vector<512xf32> to vector<512x1xf32>
    %div3A_113 = arith.constant 2.560000e+02 : f32
    %div3A_114 = vector.broadcast %div3A_113 : f32 to vector<512x1xf32>
    %div3A_115 = arith.divf %broadcast_in_dim3A_112, %div3A_114 : vector<512x1xf32>
    %jit3A_116 = arith.constant 0 : i32
    %reduce_sum3A_117 = arith.constant dense<0.000000e+00> : vector<512xf32>
    %reduce_sum3A_118 = vector.multi_reduction <add>, %add3A_103, %reduce_sum3A_117 [1] : vector<512x256xf32> to vector<512xf32>
    %broadcast_in_dim3A_119 = vector.shape_cast %reduce_sum3A_118 : vector<512xf32> to vector<512x1xf32>
    %div3A_120 = arith.constant 2.560000e+02 : f32
    %div3A_121 = vector.broadcast %div3A_120 : f32 to vector<512x1xf32>
    %div3A_122 = arith.divf %broadcast_in_dim3A_119, %div3A_121 : vector<512x1xf32>
    %sub3A_123 = vector.broadcast %div3A_122 : vector<512x1xf32> to vector<512x256xf32>
    %sub3A_124 = arith.subf %add3A_103, %sub3A_123 : vector<512x256xf32>
    %square3A_125 = arith.mulf %sub3A_124, %sub3A_124 : vector<512x256xf32>
    %convert_element_type3A_126 = arith.sitofp %jit3A_116 : i32 to f32
    %sub3A_127 = arith.constant 2.560000e+02 : f32
    %sub3A_128 = arith.subf %sub3A_127, %convert_element_type3A_126 : f32
    %reduce_sum3A_129 = arith.constant dense<0.000000e+00> : vector<512xf32>
    %reduce_sum3A_130 = vector.multi_reduction <add>, %square3A_125, %reduce_sum3A_129 [1] : vector<512x256xf32> to vector<512xf32>
    %broadcast_in_dim3A_131 = vector.shape_cast %reduce_sum3A_130 : vector<512xf32> to vector<512x1xf32>
    %div3A_132 = vector.broadcast %sub3A_128 : f32 to vector<512x1xf32>
    %div3A_133 = arith.divf %broadcast_in_dim3A_131, %div3A_132 : vector<512x1xf32>
    %gt3A_134 = arith.constant 0.000000e+00 : f32
    %gt3A_135 = arith.cmpf ogt, %sub3A_128, %gt3A_134 : f32
    %jit3A_136 = arith.constant 0x7FC00000 : f32
    %broadcast_in_dim3A_137 = vector.broadcast %jit3A_136 : f32 to vector<512x1xf32>
    %select_n3A_138 = arith.select %gt3A_135, %div3A_133, %broadcast_in_dim3A_137 : vector<512x1xf32>
    %sub3A_139 = vector.broadcast %div3A_115 : vector<512x1xf32> to vector<512x256xf32>
    %sub3A_140 = arith.subf %add3A_103, %sub3A_139 : vector<512x256xf32>
    %add3A_141 = arith.constant 9.99999974E-6 : f32
    %add3A_142 = vector.broadcast %add3A_141 : f32 to vector<512x1xf32>
    %add3A_143 = arith.addf %select_n3A_138, %add3A_142 : vector<512x1xf32>
    %sqrt3A_144 = math.sqrt %add3A_143 : vector<512x1xf32>
    %div3A_145 = vector.broadcast %sqrt3A_144 : vector<512x1xf32> to vector<512x256xf32>
    %div3A_146 = arith.divf %sub3A_140, %div3A_145 : vector<512x256xf32>
    %mul3A_147 = vector.broadcast %get3A_106 : vector<1x256xf32> to vector<512x256xf32>
    %mul3A_148 = arith.mulf %div3A_146, %mul3A_147 : vector<512x256xf32>
    %add3A_149 = vector.broadcast %get3A_109 : vector<1x256xf32> to vector<512x256xf32>
    %add3A_150 = arith.addf %mul3A_148, %add3A_149 : vector<512x256xf32>
    %max3A_151 = arith.constant 0.000000e+00 : f32
    %max3A_152 = vector.broadcast %max3A_151 : f32 to vector<512x256xf32>
    %max3A_153 = arith.maximumf %add3A_150, %max3A_152 : vector<512x256xf32>
    %get3A_154 = arith.constant 0 : index
    %get3A_155 = arith.constant 0 : index
    %get3A_156 = vector.load %arg12[%get3A_154, %get3A_155] : memref<256x1xf32, #tpu.memory_space<vmem>>, vector<256x1xf32>
    %dot_general3A_157 = arith.constant dense<0.000000e+00> : vector<512x1xf32>
    %dot_general3A_158 = tpu.matmul %max3A_153, %get3A_156, %dot_general3A_157 {dimension_numbers = #tpu.dot_dimension_numbers<[1], [0], [0], [1], [0, 0, 1, 1], [], []>, transpose_lhs_hint = false} : vector<512x256xf32>, vector<256x1xf32>, vector<512x1xf32> -> vector<512x1xf32>
    %get3A_159 = arith.constant 0 : index
    %get3A_160 = arith.constant 0 : index
    %get3A_161 = vector.load %arg13[%get3A_159, %get3A_160] : memref<1x1xf32, #tpu.memory_space<vmem>>, vector<1x1xf32>
    %add3A_162 = vector.broadcast %get3A_161 : vector<1x1xf32> to vector<512x1xf32>
    %add3A_163 = arith.addf %dot_general3A_158, %add3A_162 : vector<512x1xf32>
    %max3A_164 = arith.constant 0.000000e+00 : f32
    %max3A_165 = vector.broadcast %max3A_164 : f32 to vector<512x1xf32>
    %max3A_166 = arith.maximumf %add3A_163, %max3A_165 : vector<512x1xf32>
    %swap3A = arith.constant 0 : index
    %swap3A_167 = arith.constant 0 : index
    %swap3A_168 = arith.constant 0 : index
    %swap3A_169 = vector.load %arg14[%swap3A, %swap3A_167, %swap3A_168] : memref<1x512x1xf32, #tpu.memory_space<vmem>>, vector<1x512x1xf32>
    %swap3A_170 = vector.shape_cast %swap3A_169 : vector<1x512x1xf32> to vector<512x1xf32>
    %swap3A_171 = vector.shape_cast %max3A_166 : vector<512x1xf32> to vector<1x512x1xf32>
    tpu.vector_store %arg14[%swap3A, %swap3A_167, %swap3A_168], %swap3A_171 {strides = array<i32>} : memref<1x512x1xf32, #tpu.memory_space<vmem>>, vector<1x512x1xf32>,
    %iota3A = tpu.iota {dimensions = array<i32: 0>} : vector<512x512xi32>
    %iota3A_172 = tpu.iota {dimensions = array<i32: 1>} : vector<512x512xi32>
    %le3A = arith.cmpi sle, %iota3A, %iota3A_172 : vector<512x512xi32>
    %convert_element_type3A_173 = arith.extui %le3A : vector<512x512xi1> to vector<512x512xi32>
    %convert_element_type3A_174 = arith.sitofp %convert_element_type3A_173 : vector<512x512xi32> to vector<512x512xf32>
    %get3A_175 = arith.constant 0 : index
    %get3A_176 = arith.constant 0 : index
    %get3A_177 = arith.constant 0 : index
    %get3A_178 = vector.load %arg3[%get3A_175, %get3A_176, %get3A_177] : memref<1x1x512xi32, #tpu.memory_space<vmem>>, vector<1x1x512xi32>
    %get3A_179 = vector.shape_cast %get3A_178 : vector<1x1x512xi32> to vector<1x512xi32>
    %convert_element_type3A_180 = arith.sitofp %get3A_179 : vector<1x512xi32> to vector<1x512xf32>
    %dot_general3A_181 = arith.constant dense<0.000000e+00> : vector<1x512xf32>
    %dot_general3A_182 = tpu.matmul %convert_element_type3A_180, %convert_element_type3A_174, %dot_general3A_181 {dimension_numbers = #tpu.dot_dimension_numbers<[1], [0], [0], [1], [0, 0, 1, 1], [], []>, transpose_lhs_hint = false} : vector<1x512xf32>, vector<512x512xf32>, vector<1x512xf32> -> vector<1x512xf32>
    %convert_element_type3A_183 = arith.fptosi %dot_general3A_182 : vector<1x512xf32> to vector<1x512xi32>
    %slice3A_184 = vector.extract_strided_slice %convert_element_type3A_183 {offsets = [0, 511], sizes = [1, 1], strides = [1, 1]} : vector<1x512xi32> to vector<1x1xi32>
    %squeeze3A = vector.extract %slice3A_184[0, 0] : i32 from vector<1x1xi32>
    %get3A_185 = arith.constant 0 : index
    %get3A_186 = arith.constant 0 : index
    %get3A_187 = memref.load %arg1[%get3A_185, %get3A_186] : memref<1x1xi32, #tpu.memory_space<smem>>
    %min3A = arith.minsi %squeeze3A, %get3A_187 : i32
    %mul3A_188 = arith.constant 512 : i32
    %mul3A_189 = arith.muli %arg0, %mul3A_188 : i32
    %iota3A_190 = tpu.iota {dimensions = array<i32: 0>} : vector<912x1xi32>
    %add3A_191 = arith.constant 0 : i32
    %add3A_192 = vector.broadcast %add3A_191 : i32 to vector<912x1xi32>
    %add3A_193 = arith.addi %iota3A_190, %add3A_192 : vector<912x1xi32>
    %le3A_194 = vector.broadcast %convert_element_type3A_183 : vector<1x512xi32> to vector<912x512xi32>
    %le3A_195 = vector.broadcast %add3A_193 : vector<912x1xi32> to vector<912x512xi32>
    %le3A_196 = arith.cmpi sle, %le3A_194, %le3A_195 : vector<912x512xi32>
    %convert_element_type3A_197 = arith.extui %le3A_196 : vector<912x512xi1> to vector<912x512xi32>
    %reduce_sum3A_198 = arith.constant dense<0> : vector<912xi32>
    %reduce_sum3A_199 = vector.multi_reduction <add>, %convert_element_type3A_197, %reduce_sum3A_198 [1] : vector<912x512xi32> to vector<912xi32>
    %broadcast_in_dim3A_200 = vector.shape_cast %reduce_sum3A_199 : vector<912xi32> to vector<912x1xi32>
    %lt3A = vector.broadcast %min3A : i32 to vector<912x1xi32>
    %lt3A_201 = arith.cmpi slt, %add3A_193, %lt3A : vector<912x1xi32>
    %add3A_202 = vector.broadcast %mul3A_189 : i32 to vector<912x1xi32>
    %add3A_203 = arith.addi %broadcast_in_dim3A_200, %add3A_202 : vector<912x1xi32>
    %jit3A_204 = arith.constant 2048 : i32
    %broadcast_in_dim3A_205 = vector.broadcast %jit3A_204 : i32 to vector<912x1xi32>
    %select_n3A_206 = arith.select %lt3A_201, %add3A_203, %broadcast_in_dim3A_205 : vector<912x1xi1>, vector<912x1xi32>
    %swap3A_207 = arith.constant 0 : index
    %swap3A_208 = arith.constant 0 : index
    %swap3A_209 = arith.constant 0 : index
    %swap3A_210 = vector.load %arg15[%swap3A_207, %swap3A_208, %swap3A_209] : memref<1x3648x1xi32, #tpu.memory_space<vmem>>, vector<1x912x1xi32>
    %swap3A_211 = vector.shape_cast %swap3A_210 : vector<1x912x1xi32> to vector<912x1xi32>
    %swap3A_212 = vector.shape_cast %select_n3A_206 : vector<912x1xi32> to vector<1x912x1xi32>
    tpu.vector_store %arg15[%swap3A_207, %swap3A_208, %swap3A_209], %swap3A_212 {strides = array<i32>} : memref<1x3648x1xi32, #tpu.memory_space<vmem>>, vector<1x912x1xi32>,
    %iota3A_213 = tpu.iota {dimensions = array<i32: 0>} : vector<912x1xi32>
    %add3A_214 = arith.constant 912 : i32
    %add3A_215 = vector.broadcast %add3A_214 : i32 to vector<912x1xi32>
    %add3A_216 = arith.addi %iota3A_213, %add3A_215 : vector<912x1xi32>
    %le3A_217 = vector.broadcast %convert_element_type3A_183 : vector<1x512xi32> to vector<912x512xi32>
    %le3A_218 = vector.broadcast %add3A_216 : vector<912x1xi32> to vector<912x512xi32>
    %le3A_219 = arith.cmpi sle, %le3A_217, %le3A_218 : vector<912x512xi32>
    %convert_element_type3A_220 = arith.extui %le3A_219 : vector<912x512xi1> to vector<912x512xi32>
    %reduce_sum3A_221 = arith.constant dense<0> : vector<912xi32>
    %reduce_sum3A_222 = vector.multi_reduction <add>, %convert_element_type3A_220, %reduce_sum3A_221 [1] : vector<912x512xi32> to vector<912xi32>
    %broadcast_in_dim3A_223 = vector.shape_cast %reduce_sum3A_222 : vector<912xi32> to vector<912x1xi32>
    %lt3A_224 = vector.broadcast %min3A : i32 to vector<912x1xi32>
    %lt3A_225 = arith.cmpi slt, %add3A_216, %lt3A_224 : vector<912x1xi32>
    %add3A_226 = vector.broadcast %mul3A_189 : i32 to vector<912x1xi32>
    %add3A_227 = arith.addi %broadcast_in_dim3A_223, %add3A_226 : vector<912x1xi32>
    %jit3A_228 = arith.constant 2048 : i32
    %broadcast_in_dim3A_229 = vector.broadcast %jit3A_228 : i32 to vector<912x1xi32>
    %select_n3A_230 = arith.select %lt3A_225, %add3A_227, %broadcast_in_dim3A_229 : vector<912x1xi1>, vector<912x1xi32>
    %swap3A_231 = arith.constant 0 : index
    %swap3A_232 = arith.constant 912 : index
    %swap3A_233 = arith.constant 0 : index
    %swap3A_234 = vector.load %arg15[%swap3A_231, %swap3A_232, %swap3A_233] : memref<1x3648x1xi32, #tpu.memory_space<vmem>>, vector<1x912x1xi32>
    %swap3A_235 = vector.shape_cast %swap3A_234 : vector<1x912x1xi32> to vector<912x1xi32>
    %swap3A_236 = vector.shape_cast %select_n3A_230 : vector<912x1xi32> to vector<1x912x1xi32>
    tpu.vector_store %arg15[%swap3A_231, %swap3A_232, %swap3A_233], %swap3A_236 {strides = array<i32>} : memref<1x3648x1xi32, #tpu.memory_space<vmem>>, vector<1x912x1xi32>,
    %iota3A_237 = tpu.iota {dimensions = array<i32: 0>} : vector<912x1xi32>
    %add3A_238 = arith.constant 1824 : i32
    %add3A_239 = vector.broadcast %add3A_238 : i32 to vector<912x1xi32>
    %add3A_240 = arith.addi %iota3A_237, %add3A_239 : vector<912x1xi32>
    %le3A_241 = vector.broadcast %convert_element_type3A_183 : vector<1x512xi32> to vector<912x512xi32>
    %le3A_242 = vector.broadcast %add3A_240 : vector<912x1xi32> to vector<912x512xi32>
    %le3A_243 = arith.cmpi sle, %le3A_241, %le3A_242 : vector<912x512xi32>
    %convert_element_type3A_244 = arith.extui %le3A_243 : vector<912x512xi1> to vector<912x512xi32>
    %reduce_sum3A_245 = arith.constant dense<0> : vector<912xi32>
    %reduce_sum3A_246 = vector.multi_reduction <add>, %convert_element_type3A_244, %reduce_sum3A_245 [1] : vector<912x512xi32> to vector<912xi32>
    %broadcast_in_dim3A_247 = vector.shape_cast %reduce_sum3A_246 : vector<912xi32> to vector<912x1xi32>
    %lt3A_248 = vector.broadcast %min3A : i32 to vector<912x1xi32>
    %lt3A_249 = arith.cmpi slt, %add3A_240, %lt3A_248 : vector<912x1xi32>
    %add3A_250 = vector.broadcast %mul3A_189 : i32 to vector<912x1xi32>
    %add3A_251 = arith.addi %broadcast_in_dim3A_247, %add3A_250 : vector<912x1xi32>
    %jit3A_252 = arith.constant 2048 : i32
    %broadcast_in_dim3A_253 = vector.broadcast %jit3A_252 : i32 to vector<912x1xi32>
    %select_n3A_254 = arith.select %lt3A_249, %add3A_251, %broadcast_in_dim3A_253 : vector<912x1xi1>, vector<912x1xi32>
    %swap3A_255 = arith.constant 0 : index
    %swap3A_256 = arith.constant 1824 : index
    %swap3A_257 = arith.constant 0 : index
    %swap3A_258 = vector.load %arg15[%swap3A_255, %swap3A_256, %swap3A_257] : memref<1x3648x1xi32, #tpu.memory_space<vmem>>, vector<1x912x1xi32>
    %swap3A_259 = vector.shape_cast %swap3A_258 : vector<1x912x1xi32> to vector<912x1xi32>
    %swap3A_260 = vector.shape_cast %select_n3A_254 : vector<912x1xi32> to vector<1x912x1xi32>
    tpu.vector_store %arg15[%swap3A_255, %swap3A_256, %swap3A_257], %swap3A_260 {strides = array<i32>} : memref<1x3648x1xi32, #tpu.memory_space<vmem>>, vector<1x912x1xi32>,
    %iota3A_261 = tpu.iota {dimensions = array<i32: 0>} : vector<912x1xi32>
    %add3A_262 = arith.constant 2736 : i32
    %add3A_263 = vector.broadcast %add3A_262 : i32 to vector<912x1xi32>
    %add3A_264 = arith.addi %iota3A_261, %add3A_263 : vector<912x1xi32>
    %le3A_265 = vector.broadcast %convert_element_type3A_183 : vector<1x512xi32> to vector<912x512xi32>
    %le3A_266 = vector.broadcast %add3A_264 : vector<912x1xi32> to vector<912x512xi32>
    %le3A_267 = arith.cmpi sle, %le3A_265, %le3A_266 : vector<912x512xi32>
    %convert_element_type3A_268 = arith.extui %le3A_267 : vector<912x512xi1> to vector<912x512xi32>
    %reduce_sum3A_269 = arith.constant dense<0> : vector<912xi32>
    %reduce_sum3A_270 = vector.multi_reduction <add>, %convert_element_type3A_268, %reduce_sum3A_269 [1] : vector<912x512xi32> to vector<912xi32>
    %broadcast_in_dim3A_271 = vector.shape_cast %reduce_sum3A_270 : vector<912xi32> to vector<912x1xi32>
    %lt3A_272 = vector.broadcast %min3A : i32 to vector<912x1xi32>
    %lt3A_273 = arith.cmpi slt, %add3A_264, %lt3A_272 : vector<912x1xi32>
    %add3A_274 = vector.broadcast %mul3A_189 : i32 to vector<912x1xi32>
    %add3A_275 = arith.addi %broadcast_in_dim3A_271, %add3A_274 : vector<912x1xi32>
    %jit3A_276 = arith.constant 2048 : i32
    %broadcast_in_dim3A_277 = vector.broadcast %jit3A_276 : i32 to vector<912x1xi32>
    %select_n3A_278 = arith.select %lt3A_273, %add3A_275, %broadcast_in_dim3A_277 : vector<912x1xi1>, vector<912x1xi32>
    %swap3A_279 = arith.constant 0 : index
    %swap3A_280 = arith.constant 2736 : index
    %swap3A_281 = arith.constant 0 : index
    %swap3A_282 = vector.load %arg15[%swap3A_279, %swap3A_280, %swap3A_281] : memref<1x3648x1xi32, #tpu.memory_space<vmem>>, vector<1x912x1xi32>
    %swap3A_283 = vector.shape_cast %swap3A_282 : vector<1x912x1xi32> to vector<912x1xi32>
    %swap3A_284 = vector.shape_cast %select_n3A_278 : vector<912x1xi32> to vector<1x912x1xi32>
    tpu.vector_store %arg15[%swap3A_279, %swap3A_280, %swap3A_281], %swap3A_284 {strides = array<i32>} : memref<1x3648x1xi32, #tpu.memory_space<vmem>>, vector<1x912x1xi32>,
    return
  }
  func.func @transform_0(%arg0: i32) -> (i32, i32) {
    %c0_i32 = arith.constant 0 : i32
    %c0_i32_0 = arith.constant 0 : i32
    %c0_i32_1 = arith.constant 0 : i32
    return %c0_i32, %c0_i32_0 : i32, i32
  }
  func.func @transform_1(%arg0: i32) -> (i32, i32, i32) {
    %c0_i32 = arith.constant 0 : i32
    %c0_i32_0 = arith.constant 0 : i32
    %c0_i32_1 = arith.constant 0 : i32
    return %arg0, %c0_i32, %c0_i32_0 : i32, i32, i32
  }
  func.func @transform_2(%arg0: i32) -> (i32, i32, i32) {
    %c0_i32 = arith.constant 0 : i32
    %c0_i32_0 = arith.constant 0 : i32
    %c0_i32_1 = arith.constant 0 : i32
    return %arg0, %c0_i32, %c0_i32_0 : i32, i32, i32
  }
  func.func @transform_3(%arg0: i32) -> (i32, i32, i32) {
    %c0_i32 = arith.constant 0 : i32
    %c0_i32_0 = arith.constant 0 : i32
    %c0_i32_1 = arith.constant 0 : i32
    %c0_i32_2 = arith.constant 0 : i32
    return %c0_i32, %c0_i32_0, %c0_i32_1 : i32, i32, i32
  }
  func.func @transform_4(%arg0: i32) -> (i32, i32) {
    %c0_i32 = arith.constant 0 : i32
    %c0_i32_0 = arith.constant 0 : i32
    %c0_i32_1 = arith.constant 0 : i32
    return %c0_i32, %c0_i32_0 : i32, i32
  }
  func.func @transform_5(%arg0: i32) -> (i32, i32) {
    %c0_i32 = arith.constant 0 : i32
    %c0_i32_0 = arith.constant 0 : i32
    %c0_i32_1 = arith.constant 0 : i32
    return %c0_i32, %c0_i32_0 : i32, i32
  }
  func.func @transform_6(%arg0: i32) -> (i32, i32) {
    %c0_i32 = arith.constant 0 : i32
    %c0_i32_0 = arith.constant 0 : i32
    %c0_i32_1 = arith.constant 0 : i32
    return %c0_i32, %c0_i32_0 : i32, i32
  }
  func.func @transform_7(%arg0: i32) -> (i32, i32, i32) {
    %c0_i32 = arith.constant 0 : i32
    %c0_i32_0 = arith.constant 0 : i32
    %c0_i32_1 = arith.constant 0 : i32
    %c0_i32_2 = arith.constant 0 : i32
    return %c0_i32, %c0_i32_0, %c0_i32_1 : i32, i32, i32
  }
  func.func @transform_8(%arg0: i32) -> (i32, i32) {
    %c0_i32 = arith.constant 0 : i32
    %c0_i32_0 = arith.constant 0 : i32
    %c0_i32_1 = arith.constant 0 : i32
    return %c0_i32, %c0_i32_0 : i32, i32
  }
  func.func @transform_9(%arg0: i32) -> (i32, i32) {
    %c0_i32 = arith.constant 0 : i32
    %c0_i32_0 = arith.constant 0 : i32
    %c0_i32_1 = arith.constant 0 : i32
    return %c0_i32, %c0_i32_0 : i32, i32
  }
  func.func @transform_10(%arg0: i32) -> (i32, i32) {
    %c0_i32 = arith.constant 0 : i32
    %c0_i32_0 = arith.constant 0 : i32
    %c0_i32_1 = arith.constant 0 : i32
    return %c0_i32, %c0_i32_0 : i32, i32
  }
  func.func @transform_11(%arg0: i32) -> (i32, i32) {
    %c0_i32 = arith.constant 0 : i32
    %c0_i32_0 = arith.constant 0 : i32
    %c0_i32_1 = arith.constant 0 : i32
    return %c0_i32, %c0_i32_0 : i32, i32
  }
  func.func @transform_12(%arg0: i32) -> (i32, i32) {
    %c0_i32 = arith.constant 0 : i32
    %c0_i32_0 = arith.constant 0 : i32
    %c0_i32_1 = arith.constant 0 : i32
    return %c0_i32, %c0_i32_0 : i32, i32
  }
  func.func @transform_13(%arg0: i32) -> (i32, i32, i32) {
    %c0_i32 = arith.constant 0 : i32
    %c0_i32_0 = arith.constant 0 : i32
    %c0_i32_1 = arith.constant 0 : i32
    return %arg0, %c0_i32, %c0_i32_0 : i32, i32, i32
  }
  func.func @transform_14(%arg0: i32) -> (i32, i32, i32) {
    %c0_i32 = arith.constant 0 : i32
    %c0_i32_0 = arith.constant 0 : i32
    %c0_i32_1 = arith.constant 0 : i32
    return %arg0, %c0_i32, %c0_i32_0 : i32, i32, i32
  }
}

</mosaic_0001>

<sc_bundles>
// kernel: kernel.4.cloned.1.call-start
scs
__scs_entry_jumppad:
0x0: {  	(pc) =	sbr.rel $0x88, $3  }
0x1: {  	(tag) =	ssettag $0x0;
	lr =	simm.s32 $0x1  }
0x2: {  	[smem:$0x3F94] =	sst lr;
	_ =	strace $0xD0000000  }
0x3: {  	_ = 	snop  }
0x4: {  	_ = 	snop  }
0x5: {  	_ = 	snop  }
0x6: {  	_ = 	snop  }
0x7: {  	_ = 	snop  }
__scs_overlays_trampoline_lowered:
0x8: {  	[smem:$0x3FA3] =	sst s0  }
0x9: {  	[smem:$0x3FA4] =	sst s1  }
0xa: {  	[smem:$0x3FA5] =	sst s2  }
0xb: {  	[smem:$0x3FA6] =	sst s3  }
0xc: {  	[smem:$0x3FA7] =	sst s4  }
0xd: {  	[smem:$0x3FA8] =	sst s5  }
0xe: {  	[smem:$0x3FA9] =	sst s6  }
0xf: {  	[smem:$0x3FAA] =	sst s7  }
0x10: {  	[smem:$0x3FAB] =	sst s8  }
0x11: {  	[smem:$0x3FAC] =	sst s9;
	s0 =	simm.s32 @!p0 $0x0  }
0x12: {  	s1 =	sld [smem:$0x3F92];
	s0 =	simm.s32 @p0 $0x1  }
0x13: {  	[smem:$0x3FAD] =	sst s0;
	s0 =	simm.s32 @!p1 $0x0  }
0x14: {  	s2 =	sld [smem:$0x3F91];
	s0 =	simm.s32 @p1 $0x1  }
0x15: {  	[smem:$0x3FAE] =	sst s0;
	s0 =	simm.s32 @!p2 $0x0  }
0x16: {  	s3 =	sld [smem:$0x3FDB];
	s0 =	simm.s32 @p2 $0x1  }
0x17: {  	s4 =	simm.s32 $0x1BF5;
	[smem:$0x3FB0] =	sst s0  }
0x18: {  	s0 =	sld [smem:$0x3F93];
	_ =	swait.ge [sflag:s4], $0x0  }
0x19: {  	s7 =	sld [smem:$0x3F94]  }
0x1a: {  	s8 =	sadd.s32 $0xFFFFE003, lr  }
0x1b: {  	s9 =	sadd.s32 $0xFFFFFEF7, lr;
	s5 =	simm.s32 $0xFFFFFFFF;
	p2 =	slt.u32 s8, $0xFFFFF086  }
0x1c: {  	p1 =	slt.u32 s9, $0xF7A;
	s5 =	simm.s32 @!p2 $0x0  }
0x1d: {  	s5 =	simm.s32 @p1 $0x1;
	p0 =	seq.s32 s7, s2  }
0x1e: {  	s7 =	smul.u32 @!p0 $0xF7A, s2;
	p2 =	seq.s32 @!p0 s5, $0x0  }
0x1f: {  	s9 =	smul.u32 $0xF7A, s1;
	s8 =	simm.s32 @!p0 $0x1BF5;
	p2 =	por !p2, p0  }
0x20: {  	[sflag:s8] =	ssyncset.s32 @!p0 $0xFFFFF086;
	s6 =	sadd.s32 @!p0 s3, s7;
	s7 =	simm.s32 @!p0 $0x108  }
0x21: {  	s3 =	sadd.s32 s3, s9;
	s6 =	sadd.s32 @!p0 $0x88, s6;
	s7 =	simm.s32 @p2 $0x1082  }
0x22: {  	[simem:s7], [sflag:s8] =	dma.local @!p0 [hbm:s6], $0xF7A  }
0x23: {  	s9 =	sor.u32 $0xD0000000, s2;
	s6 =	simm.s32 $0x108;
	_ =	swait.ge @!p0 [sflag:s8], $0x0  }
0x24: {  	s3 =	sadd.s32 $0x88, s3;
	s6 =	simm.s32 @!p1 $0x1082;
	[sflag:s4] =	ssyncset.s32 $0xFFFFF086  }
0x25: {  	[simem:s6], [sflag:s4] =	dma.local [hbm:s3], $0xF7A  }
0x26: {  	[smem:$0x3F94] =	sst s1;
	(tag) =	ssettag s2;
	_ =	strace s9  }
0x27: {  	s1 =	sld [smem:$0x3FA4]  }
0x28: {  	s2 =	sld [smem:$0x3FA5]  }
0x29: {  	s4 =	sld [smem:$0x3FA7]  }
0x2a: {  	p0 =	seq.s32 s5, $0x0;
	s5 =	sld [smem:$0x3FA8]  }
0x2b: {  	s6 =	sld [smem:$0x3FA9]  }
0x2c: {  	s7 =	sld [smem:$0x3FAA]  }
0x2d: {  	s3 =	simm.s32 $0x108;
	s8 =	sld [smem:$0x3FAB]  }
0x2e: {  	s3 =	simm.s32 @!p0 $0x1082;
	s9 =	sld [smem:$0x3FAC]  }
0x2f: {  	lr =	sadd.s32 s0, s3;
	s0 =	sld [smem:$0x3FA3]  }
0x30: {  	s3 =	sld [smem:$0x3FA6]  }
0x31: {  	[smem:$0x3FAF] =	sst s10  }
0x32: {  	s10 =	sld [smem:$0x3FAD];
	_ =	sdelay $0x3  }
0x33: {  	p0 =	seq.s32 s10, $0x1;
	s10 =	sld [smem:$0x3FAF];
	_ =	sdelay $0x3  }
0x34: {  	[smem:$0x3FAF] =	sst s10  }
0x35: {  	s10 =	sld [smem:$0x3FAE];
	_ =	sdelay $0x3  }
0x36: {  	p1 =	seq.s32 s10, $0x1;
	s10 =	sld [smem:$0x3FAF];
	_ =	sdelay $0x3  }
0x37: {  	[smem:$0x3FAF] =	sst s10  }
0x38: {  	s10 =	sld [smem:$0x3FB0]  }
0x39: {  	_ = 	snop;
	(pc) =	sbr.ind lr, $3  }
0x3a: {  	_ = 	snop  }
0x3b: {  	_ = 	snop  }
0x3c: {  	p2 =	seq.s32 s10, $0x1;
	s10 =	sld [smem:$0x3FAF]  }
0x3d: {  	_ =	shalt  }
0x3e: {  	_ =	shalt  }
0x3f: {  	_ =	shalt  }
0x40: {  	_ =	shalt  }
0x41: {  	_ =	shalt  }
0x42: {  	_ =	shalt  }
0x43: {  	_ =	shalt  }
0x44: {  	_ =	shalt  }
0x45: {  	_ =	shalt  }
0x46: {  	_ =	shalt  }
0x47: {  	_ =	shalt  }
0x48: {  	_ =	shalt  }
0x49: {  	_ =	shalt  }
0x4a: {  	_ =	shalt  }
0x4b: {  	_ =	shalt  }
0x4c: {  	_ =	shalt  }
0x4d: {  	_ =	shalt  }
0x4e: {  	_ =	shalt  }
0x4f: {  	_ =	shalt  }
0x50: {  	_ =	shalt  }
0x51: {  	_ =	shalt  }
0x52: {  	_ =	shalt  }
0x53: {  	_ =	shalt  }
0x54: {  	_ =	shalt  }
0x55: {  	_ =	shalt  }
0x56: {  	_ =	shalt  }
0x57: {  	_ =	shalt  }
0x58: {  	_ =	shalt  }
0x59: {  	_ =	shalt  }
0x5a: {  	_ =	shalt  }
0x5b: {  	_ =	shalt  }
0x5c: {  	_ =	shalt  }
0x5d: {  	_ =	shalt  }
0x5e: {  	_ =	shalt  }
0x5f: {  	_ =	shalt  }
0x60: {  	_ =	shalt  }
0x61: {  	_ =	shalt  }
0x62: {  	_ =	shalt  }
0x63: {  	_ =	shalt  }
0x64: {  	_ =	shalt  }
0x65: {  	_ =	shalt  }
0x66: {  	_ =	shalt  }
0x67: {  	_ =	shalt  }
0x68: {  	_ =	shalt  }
0x69: {  	_ =	shalt  }
0x6a: {  	_ =	shalt  }
0x6b: {  	_ =	shalt  }
0x6c: {  	_ =	shalt  }
0x6d: {  	_ =	shalt  }
0x6e: {  	_ =	shalt  }
0x6f: {  	_ =	shalt  }
0x70: {  	_ =	shalt  }
0x71: {  	_ =	shalt  }
0x72: {  	_ =	shalt  }
0x73: {  	_ =	shalt  }
0x74: {  	_ =	shalt  }
0x75: {  	_ =	shalt  }
0x76: {  	_ =	shalt  }
0x77: {  	_ =	shalt  }
0x78: {  	_ =	shalt  }
0x79: {  	_ =	shalt  }
0x7a: {  	_ =	shalt  }
0x7b: {  	_ =	shalt  }
0x7c: {  	_ =	shalt  }
0x7d: {  	_ =	shalt  }
0x7e: {  	_ =	shalt  }
0x7f: {  	_ =	shalt  }
0x80: {  	_ =	shalt  }
0x81: {  	_ =	shalt  }
0x82: {  	_ =	shalt  }
0x83: {  	_ =	shalt  }
0x84: {  	_ =	shalt  }
0x85: {  	_ =	shalt  }
0x86: {  	_ =	shalt  }
0x87: {  	_ =	shalt  }
.Lfunc_end0:
.L_simem_size_0:
called_computation_lowered:
.L_overlay_start_0:
0x88: {  	s2 =	sld [smem:$0x3FD9]  }
0x89: {  	s3 =	sld [smem:$0x3FFE];
	_ =	sdelay $0x1  }
0x8a: {  	s1 =	srdreg.scid  }
0x8b: {  	s0 =	sand.u32 $0x1, s1  }
0x8c: {  	s14 =	sshll.u32 s0, $0xA;
	s2 =	sadd.s32 s3, s2  }
0x8d: {  	s2 =	sadd.s32 s2, s14  }
0x8e: {  	[smem:$0x3FBB] =	sst s2  }
0x8f: {  	_ = 	snop  }
0x90: {  	s2 =	sld [smem:$0x3FD0];
	_ =	sdelay $0x2  }
0x91: {  	s15 =	simm.s32 $0xA;
	s4 =	simm.s32 $0x10  }
0x92: {  	[smem:s4], [sflag:s15] =	dma.local [hbm:s2], $0x1  }
0x93: {  	_ =	swait.eq [sflag:s15], $0x1  }
0x94: {  	[sflag:s15] =	ssyncset.done $0x0  }
0x95: {  	[sflag:s15] =	ssyncadd.s32 $0xFFFFFFFF  }
0x96: {  	s16 =	sld [smem:$0x10];
	(tm) =	ssettm $0x1  }
0x97: {  	s17 =	sld [smem:$0x3FFB];
	_ =	sdelay $0x3  }
0x98: {  	_ =	strace s17  }
0x99: {  	s3 =	sld [smem:$0x3FFC];
	_ =	sdelay $0x3  }
0x9a: {  	_ =	strace s3  }
0x9b: {  	s3 =	sld [smem:$0x3FFD];
	_ =	sdelay $0x3  }
0x9c: {  	_ =	strace s3  }
0x9d: {  	_ =	strace $0x8FFFFFFF  }
0x9e: {  	s18 =	sld [smem:$0x3FDB];
	_ =	sdelay $0x1  }
0x9f: {  	s19 =	simm.s32 $_scs_section_size  }
0xa0: {  	s5 =	simm.s32 $_size__tile_overlayer_lowered;
	s6 =	simm.s32 $_tile_overlayer_lowered  }
0xa1: {  	s22 =	simm.s32 $0x1BFF;
	s21 =	sshll.u32 s6, $0x1;
	s3 =	sadd.s32 s19, s18  }
0xa2: {  	s7 =	simm.s32 $0x0;
	s20 =	sshll.u32 s5, $0x1;
	s5 =	sadd.s32 s21, s3  }
0xa3: {  	[timem:s7], [sflag:s22] =	dma.local [hbm:s5], s20  }
0xa4: {  	_ =	swait.ge [sflag:s22], s20  }
0xa5: {  	s4 =	ssub.s32 $0x0, s20;
	[sflag:s22] =	ssyncset.done $0x0  }
0xa6: {  	[sflag:s22] =	ssyncadd.s32 s4;
	_ =	sdelay $0x1  }
0xa7: {  	s23 =	simm.s32 $0x1B8B  }
0xa8: {  	_ =	swait.ge [sflag:s23], $0x1  }
0xa9: {  	[sflag:s23] =	ssyncset.done $0x0  }
0xaa: {  	s25 =	simm.s32 $0x1B8E;
	s24 =	sld [smem:$0x3FFE];
	[sflag:s23] =	ssyncadd.s32 $0xFFFFFFFF  }
0xab: {  	s26 =	simm.s32 $execute0_lowered;
	[smem:$0x3FD2] =	sst s25  }
0xac: {  	s5 =	sshll.u32 s26, $0x1;
	_ =	strace $0x80000046;
	[dreg:$0x1] =	wrdreg $0xFFFFFFFF  }
0xad: {  	s28 =	simm.s32 $_size_execute0_lowered;
	s3 =	sadd.s32 s3, s5;
	[dreg:$0x0] =	wrdreg $0x0  }
0xae: {  	s5 =	sshll.u32 s28, $0x1;
	[dreg:$0x2] =	wrdreg s3  }
0xaf: {  	[dreg:$0x3] =	wrdreg s5  }
0xb0: {  	[dreg:$0x4] =	wrdreg $0xC0  }
0xb1: {  	_ =	task [dreg:s7], $0x5FFFF  }
0xb2: {  	[dreg:$0x1] =	wrdreg $0xFFFFFFFF  }
0xb3: {  	[dreg:$0x0] =	wrdreg $0x60  }
0xb4: {  	[dreg:$0x2] =	wrdreg s24  }
0xb5: {  	[dreg:$0x3] =	wrdreg s16  }
0xb6: {  	[dreg:$0x4] =	wrdreg $0x9  }
0xb7: {  	_ =	task.clear_ibuf [dreg:s7], $0x5FFFF;
	_ =	strace $0x90000046  }
0xb8: {  	s29 =	simm.s32 $0x9;
	_ =	strace $0x80000048  }
0xb9: {  	_ =	swait.ge [sflag:s29], $0x1  }
0xba: {  	[sflag:s29] =	ssyncadd.s32 $0xFFFFFFFF  }
0xbb: {  	_ =	strace $0x90000048  }
0xbc: {  	_ =	sfence  }
0xbd: {  	s30 =	sld [smem:$0x0];
	_ =	sdelay $0x2  }
0xbe: {  	s31 =	sshll.u32 s1, $0xD;
	s1 =	sshrl.u32 s1, $0x2  }
0xbf: {  	s3 =	sand.u32 $0x4000, s31;
	s1 =	sadd.s32 s1, s30  }
0xc0: {  	s0 =	sor.u32 s3, s0;
	s1 =	sshll.u32 s1, $0x11  }
0xc1: {  	s0 =	sor.u32 s1, s0  }
0xc2: {  	s0 =	sadd.s32 $0x8F2B, s0  }
0xc3: {  	[sflag:s0] =	ssyncadd.remote.s32 $0x1  }
0xc4: {  	_ =	sfence.sel $0xFFFF  }
0xc5: {  	[dreg:$0x0] =	wrdreg $0xFFFFFFFF;
	(pc) =	sbr.abs _section_cstart, $3  }
0xc6: {  	[dreg:$0x1] =	wrdreg $0xFFFFFFFF  }
0xc7: {  	_ =	task.clear_ibuf [dreg:s7], $0x2FFFF;
	_ =	strace $0x9FFFFFFF  }
0xc8: {  	(tm) =	ssettm $0x7FFFFFFF  }
0xc9: {  	_ =	shalt  }
tec
execute0_lowered:
.L_overlay_start_1:
0x0: {  	(tag) =	ssettag $0x1  }
0x1: {  	s6 =	rddreg [dreg:$0x0]  }
0x2: {  	s1 =	rddreg [dreg:$0x1];
	s2 =	srdreg.scid  }
0x3: {  	s0 =	rddreg [dreg:$0x2];
	s3 =	simm.s32 $0x0;
	s5 =	sand.u32 $0x1, s2  }
0x4: {  	[smem:$0x7FF] =	sst s3;
	s2 =	stileid.u32;
	s4 =	sadd.s32 $0x1200, s6  }
0x5: {  	s7 =	sshll.u32 s5, $0x4;
	_ =	strace $0x80000047;
	s8 =	ssub.s32 $0x2, s5  }
0x6: {  	s17 =	sand.u32 $0x7, s2;
	s5 =	simm.s32 $0x198;
	s11 =	sor.u32 s2, s7  }
0x7: {  	s9 =	sshrl.u32 s8, $0x1;
	p1 =	sne.s32 s17, $0x0;
	s16 =	smul.u32 $0x3900, s17  }
0x8: {  	s7 =	smul.u32 $0x39, s11;
	p0 =	seq.s32 s11, $0x0;
	s14 =	ssub.s32 s8, s9  }
0x9: {  	s8 =	sadd.s32 $0x20, s1;
	p0 =	por !p1, !p0;
	p1 =	seq.s32 s17, $0x7  }
0xa: {  	s9 =	sadd.s32 $0x30, s1;
	s11 =	sshrl.u32 s11, $0x3;
	s5 =	simm.s32 @!p1 $0x1C8  }
0xb: {  	s14 =	smax.u32 s14, $0x1;
	s6 =	sadd.s32 s7, s6;
	s26 =	sadd.s32 $0x8, s5  }
0xc: {  	p0 =	por !p0, !p0;
	s28 =	sadd.s32 $0xFFFFFFFF, s5;
	[dreg:$0xa] =	wrdreg s26  }
0xd: {  	s7 =	sadd.s32 $0x10, s1;
	s10 =	sadd.s32 $0xFFFFFFFE, s5;
	[dreg:$0x3] =	wrdreg s28  }
0xe: {  	s6 =	sadd.s32 $0xA00, s6;
	s12 =	sadd.s32 $0xFFFFFFFD, s5;
	[dreg:$0x4] =	wrdreg s10  }
0xf: {  	s13 =	sadd.s32 $0xFFFFFFFC, s5;
	s29 =	sadd.s32 $0xFFFFFFFB, s5;
	[dreg:$0x5] =	wrdreg s12  }
0x10: {  	s30 =	sadd.s32 $0xFFFFFFFA, s5;
	s12 =	simm.s32 $0x1;
	[dreg:$0x6] =	wrdreg s13  }
0x11: {  	s31 =	sadd.s32 $0xFFFFFFF9, s5;
	[dreg:$0x7] =	wrdreg s29;
	s12 =	simm.s32 @!p0 $0x0  }
0x12: {  	s10 =	sadd.s32 $0x40, s1;
	[dreg:$0x8] =	wrdreg s30;
	s11 =	ssub.s32 s11, s12  }
0x13: {  	[dreg:$0x9] =	wrdreg s31;
	s13 =	sadd.s32 $0x70, s1;
	s15 =	smul.u32 $0x1C200, s11  }
0x14: {  	p0 =	sne.s32 s17, $0x7;
	s17 =	simm.s32 $0x0;
	s12 =	sadd.s32 $0x60, s1  }
0x15: {  	s11 =	sadd.s32 $0x50, s1;
	s15 =	sadd.s32 s16, s15;
	s16 =	simm.s32 $0x2  }
.LBB2_1:
0x16: {  	[tilespmem:s3], [sflag:$0x2] =	stream.linear.gather [hbm4b:s6+s3], $0x1C8, $0x38;
	[tilespmem:$0x200] =	vst v63  }
0x17: {  	_ =	swait.ge [sflag:s16], $0x1C8  }
0x18: {  	s18 =	simm.s32 $0x0;
	[sflag:s16] =	ssyncset.done $0x0  }
0x19: {  	s19 =	smov.u32 s15;
	s20 =	simm.s32 $0x0;
	[sflag:s16] =	ssyncadd.s32 $0xFFFFFE38  }
.LBB2_2:
0x1a: {  	v0 =	vld [tilespmem:s18+$0x0];
	_ =	sdelay $0x3  }
0x1b: {  	p1 =	sge.u32 s20, s5  }
0x1c: {  	(v2sf) =	vpush @!p1 v0, $0x0;
	_ =	sdelay $0xe  }
0x1d: {  	s21 =	spop @!p1 (v2sf)  }
0x1e: {  	s22 =	sshll.u32 @!p1 s21, $0x8;
	s21 =	sshll.u32 @!p1 s21, $0x7  }
0x1f: {  	s22 =	sand.u32 @!p1 $0xFFFFF800, s22;
	s21 =	sand.u32 @!p1 $0x380, s21  }
0x20: {  	s23 =	sshll.u32 @!p1 s2, $0x6;
	s24 =	simm.s32 @!p1 $0x1;
	s21 =	sor.u32 @!p1 s21, s22  }
0x21: {  	s25 =	simm.s32 @!p1 $0x80;
	s22 =	sand.u32 @!p1 $0x1FFFFF00, s19;
	s21 =	sshrl.u32 @!p1 s21, $0x3  }
0x22: {  	s23 =	sor.u32 @!p1 $0x1C01, s23;
	s22 =	sadd.s32 @!p1 s1, s22;
	s21 =	sadd.s32 @!p1 s4, s21  }
0x23: {  	[hbm:s22@s25], [sflag:s23] =	dma.strided @!p1 [hbm:s21@s25], $0x20, s24, $0x10   }
0x24: {  	s21 =	rddreg [dreg:$0x3]  }
0x25: {  	p1 =	sge.u32 s20, s21  }
0x26: {  	(v2sf) =	vpush @!p1 v0, $0x1;
	_ =	sdelay $0xe  }
0x27: {  	s21 =	spop @!p1 (v2sf)  }
0x28: {  	s22 =	sshll.u32 @!p1 s21, $0x8;
	s21 =	sshll.u32 @!p1 s21, $0x7  }
0x29: {  	s22 =	sand.u32 @!p1 $0xFFFFF800, s22;
	s21 =	sand.u32 @!p1 $0x380, s21  }
0x2a: {  	s23 =	sshll.u32 @!p1 s2, $0x6;
	s24 =	simm.s32 @!p1 $0x1;
	s21 =	sor.u32 @!p1 s21, s22  }
0x2b: {  	s25 =	simm.s32 @!p1 $0x80;
	s22 =	sand.u32 @!p1 $0x1FFFFF00, s19;
	s21 =	sshrl.u32 @!p1 s21, $0x3  }
0x2c: {  	s23 =	sor.u32 @!p1 $0x1C01, s23;
	s22 =	sadd.s32 @!p1 s22, s7;
	s21 =	sadd.s32 @!p1 s4, s21  }
0x2d: {  	[hbm:s22@s25], [sflag:s23] =	dma.strided @!p1 [hbm:s21@s25], $0x20, s24, $0x10   }
0x2e: {  	s21 =	rddreg [dreg:$0x4]  }
0x2f: {  	p1 =	sge.u32 s20, s21  }
0x30: {  	(v2sf) =	vpush @!p1 v0, $0x2;
	_ =	sdelay $0xe  }
0x31: {  	s21 =	spop @!p1 (v2sf)  }
0x32: {  	s22 =	sshll.u32 @!p1 s21, $0x8;
	s21 =	sshll.u32 @!p1 s21, $0x7  }
0x33: {  	s22 =	sand.u32 @!p1 $0xFFFFF800, s22;
	s21 =	sand.u32 @!p1 $0x380, s21  }
0x34: {  	s23 =	sshll.u32 @!p1 s2, $0x6;
	s24 =	simm.s32 @!p1 $0x1;
	s21 =	sor.u32 @!p1 s21, s22  }
0x35: {  	s25 =	simm.s32 @!p1 $0x80;
	s22 =	sand.u32 @!p1 $0x1FFFFF00, s19;
	s21 =	sshrl.u32 @!p1 s21, $0x3  }
0x36: {  	s23 =	sor.u32 @!p1 $0x1C01, s23;
	s22 =	sadd.s32 @!p1 s22, s8;
	s21 =	sadd.s32 @!p1 s4, s21  }
0x37: {  	[hbm:s22@s25], [sflag:s23] =	dma.strided @!p1 [hbm:s21@s25], $0x20, s24, $0x10   }
0x38: {  	s21 =	rddreg [dreg:$0x5]  }
0x39: {  	p1 =	sge.u32 s20, s21  }
0x3a: {  	(v2sf) =	vpush @!p1 v0, $0x3;
	_ =	sdelay $0xe  }
0x3b: {  	s21 =	spop @!p1 (v2sf)  }
0x3c: {  	s22 =	sshll.u32 @!p1 s21, $0x8;
	s21 =	sshll.u32 @!p1 s21, $0x7  }
0x3d: {  	s22 =	sand.u32 @!p1 $0xFFFFF800, s22;
	s21 =	sand.u32 @!p1 $0x380, s21  }
0x3e: {  	s23 =	sshll.u32 @!p1 s2, $0x6;
	s24 =	simm.s32 @!p1 $0x1;
	s21 =	sor.u32 @!p1 s21, s22  }
0x3f: {  	s25 =	simm.s32 @!p1 $0x80;
	s22 =	sand.u32 @!p1 $0x1FFFFF00, s19;
	s21 =	sshrl.u32 @!p1 s21, $0x3  }
0x40: {  	s23 =	sor.u32 @!p1 $0x1C01, s23;
	s22 =	sadd.s32 @!p1 s22, s9;
	s21 =	sadd.s32 @!p1 s4, s21  }
0x41: {  	[hbm:s22@s25], [sflag:s23] =	dma.strided @!p1 [hbm:s21@s25], $0x20, s24, $0x10   }
0x42: {  	s21 =	rddreg [dreg:$0x6]  }
0x43: {  	p1 =	sge.u32 s20, s21  }
0x44: {  	(v2sf) =	vpush @!p1 v0, $0x4;
	_ =	sdelay $0xe  }
0x45: {  	s21 =	spop @!p1 (v2sf)  }
0x46: {  	s22 =	sshll.u32 @!p1 s21, $0x8;
	s21 =	sshll.u32 @!p1 s21, $0x7  }
0x47: {  	s22 =	sand.u32 @!p1 $0xFFFFF800, s22;
	s21 =	sand.u32 @!p1 $0x380, s21  }
0x48: {  	s23 =	sshll.u32 @!p1 s2, $0x6;
	s24 =	simm.s32 @!p1 $0x1;
	s21 =	sor.u32 @!p1 s21, s22  }
0x49: {  	s25 =	simm.s32 @!p1 $0x80;
	s22 =	sand.u32 @!p1 $0x1FFFFF00, s19;
	s21 =	sshrl.u32 @!p1 s21, $0x3  }
0x4a: {  	s23 =	sor.u32 @!p1 $0x1C01, s23;
	s22 =	sadd.s32 @!p1 s22, s10;
	s21 =	sadd.s32 @!p1 s4, s21  }
0x4b: {  	[hbm:s22@s25], [sflag:s23] =	dma.strided @!p1 [hbm:s21@s25], $0x20, s24, $0x10   }
0x4c: {  	s21 =	rddreg [dreg:$0x7]  }
0x4d: {  	p1 =	sge.u32 s20, s21  }
0x4e: {  	(v2sf) =	vpush @!p1 v0, $0x5;
	_ =	sdelay $0xe  }
0x4f: {  	s21 =	spop @!p1 (v2sf)  }
0x50: {  	s22 =	sshll.u32 @!p1 s21, $0x8;
	s21 =	sshll.u32 @!p1 s21, $0x7  }
0x51: {  	s22 =	sand.u32 @!p1 $0xFFFFF800, s22;
	s21 =	sand.u32 @!p1 $0x380, s21  }
0x52: {  	s23 =	sshll.u32 @!p1 s2, $0x6;
	s24 =	simm.s32 @!p1 $0x1;
	s21 =	sor.u32 @!p1 s21, s22  }
0x53: {  	s25 =	simm.s32 @!p1 $0x80;
	s22 =	sand.u32 @!p1 $0x1FFFFF00, s19;
	s21 =	sshrl.u32 @!p1 s21, $0x3  }
0x54: {  	s23 =	sor.u32 @!p1 $0x1C01, s23;
	s22 =	sadd.s32 @!p1 s22, s11;
	s21 =	sadd.s32 @!p1 s4, s21  }
0x55: {  	[hbm:s22@s25], [sflag:s23] =	dma.strided @!p1 [hbm:s21@s25], $0x20, s24, $0x10   }
0x56: {  	s21 =	rddreg [dreg:$0x8]  }
0x57: {  	p1 =	sge.u32 s20, s21  }
0x58: {  	(v2sf) =	vpush @!p1 v0, $0x6;
	_ =	sdelay $0xe  }
0x59: {  	s21 =	spop @!p1 (v2sf)  }
0x5a: {  	s22 =	sshll.u32 @!p1 s21, $0x8;
	s21 =	sshll.u32 @!p1 s21, $0x7  }
0x5b: {  	s22 =	sand.u32 @!p1 $0xFFFFF800, s22;
	s21 =	sand.u32 @!p1 $0x380, s21  }
0x5c: {  	s23 =	sshll.u32 @!p1 s2, $0x6;
	s24 =	simm.s32 @!p1 $0x1;
	s21 =	sor.u32 @!p1 s21, s22  }
0x5d: {  	s25 =	simm.s32 @!p1 $0x80;
	s22 =	sand.u32 @!p1 $0x1FFFFF00, s19;
	s21 =	sshrl.u32 @!p1 s21, $0x3  }
0x5e: {  	s23 =	sor.u32 @!p1 $0x1C01, s23;
	s22 =	sadd.s32 @!p1 s22, s12;
	s21 =	sadd.s32 @!p1 s4, s21  }
0x5f: {  	[hbm:s22@s25], [sflag:s23] =	dma.strided @!p1 [hbm:s21@s25], $0x20, s24, $0x10   }
0x60: {  	s21 =	rddreg [dreg:$0x9]  }
0x61: {  	p1 =	sge.u32 s20, s21  }
0x62: {  	(v2sf) =	vpush @!p1 v0, $0x7;
	_ =	sdelay $0xe  }
0x63: {  	s21 =	spop @!p1 (v2sf)  }
0x64: {  	s22 =	sshll.u32 @!p1 s21, $0x8;
	s21 =	sshll.u32 @!p1 s21, $0x7  }
0x65: {  	s22 =	sand.u32 @!p1 $0xFFFFF800, s22;
	s21 =	sand.u32 @!p1 $0x380, s21  }
0x66: {  	s23 =	sshll.u32 @!p1 s2, $0x6;
	s24 =	simm.s32 @!p1 $0x1;
	s21 =	sor.u32 @!p1 s21, s22  }
0x67: {  	s25 =	simm.s32 @!p1 $0x80;
	s22 =	sand.u32 @!p1 $0x1FFFFF00, s19;
	s21 =	sshrl.u32 @!p1 s21, $0x3  }
0x68: {  	s23 =	sor.u32 @!p1 $0x1C01, s23;
	s22 =	sadd.s32 @!p1 s22, s13;
	s21 =	sadd.s32 @!p1 s4, s21  }
0x69: {  	[hbm:s22@s25], [sflag:s23] =	dma.strided @!p1 [hbm:s21@s25], $0x20, s24, $0x10   }
0x6a: {  	s23 =	sadd.s32 $0x8, s20  }
0x6b: {  	p1 =	sge.u32 s23, s5  }
0x6c: {  	(v2sf) =	vpush @!p1 v0, $0x8;
	_ =	sdelay $0xe  }
0x6d: {  	s21 =	spop @!p1 (v2sf)  }
0x6e: {  	s22 =	sshll.u32 @!p1 s21, $0x8;
	s21 =	sshll.u32 @!p1 s21, $0x7  }
0x6f: {  	s23 =	sshll.u32 @!p1 s2, $0x6;
	s22 =	sand.u32 @!p1 $0xFFFFF800, s22;
	s21 =	sand.u32 @!p1 $0x380, s21  }
0x70: {  	s24 =	simm.s32 @!p1 $0x1;
	s21 =	sor.u32 @!p1 s21, s22;
	s22 =	sadd.s32 @!p1 $0x100, s19  }
0x71: {  	s25 =	simm.s32 @!p1 $0x80;
	s21 =	sshrl.u32 @!p1 s21, $0x3;
	s22 =	sand.u32 @!p1 $0x1FFFFF00, s22  }
0x72: {  	s23 =	sor.u32 @!p1 $0x1C01, s23;
	s21 =	sadd.s32 @!p1 s4, s21;
	s22 =	sadd.s32 @!p1 s1, s22  }
0x73: {  	[hbm:s22@s25], [sflag:s23] =	dma.strided @!p1 [hbm:s21@s25], $0x20, s24, $0x10   }
0x74: {  	s24 =	sadd.s32 $0x9, s20  }
0x75: {  	p1 =	sge.u32 s24, s5  }
0x76: {  	(v2sf) =	vpush @!p1 v0, $0x9;
	_ =	sdelay $0xe  }
0x77: {  	s21 =	spop @!p1 (v2sf)  }
0x78: {  	s22 =	sshll.u32 @!p1 s21, $0x8;
	s21 =	sshll.u32 @!p1 s21, $0x7  }
0x79: {  	s23 =	sshll.u32 @!p1 s2, $0x6;
	s22 =	sand.u32 @!p1 $0xFFFFF800, s22;
	s21 =	sand.u32 @!p1 $0x380, s21  }
0x7a: {  	s24 =	simm.s32 @!p1 $0x1;
	s21 =	sor.u32 @!p1 s21, s22;
	s22 =	sadd.s32 @!p1 $0x120, s19  }
0x7b: {  	s25 =	simm.s32 @!p1 $0x80;
	s21 =	sshrl.u32 @!p1 s21, $0x3;
	s22 =	sand.u32 @!p1 $0x1FFFFF00, s22  }
0x7c: {  	s23 =	sor.u32 @!p1 $0x1C01, s23;
	s21 =	sadd.s32 @!p1 s4, s21;
	s22 =	sadd.s32 @!p1 s22, s7  }
0x7d: {  	[hbm:s22@s25], [sflag:s23] =	dma.strided @!p1 [hbm:s21@s25], $0x20, s24, $0x10   }
0x7e: {  	s25 =	sadd.s32 $0xA, s20  }
0x7f: {  	p1 =	sge.u32 s25, s5  }
0x80: {  	(v2sf) =	vpush @!p1 v0, $0xA;
	_ =	sdelay $0xe  }
0x81: {  	s21 =	spop @!p1 (v2sf)  }
0x82: {  	s26 =	sadd.s32 $0xB, s20;
	s22 =	sshll.u32 @!p1 s21, $0x8;
	s21 =	sshll.u32 @!p1 s21, $0x7  }
0x83: {  	s23 =	sshll.u32 @!p1 s2, $0x6;
	s22 =	sand.u32 @!p1 $0xFFFFF800, s22;
	s21 =	sand.u32 @!p1 $0x380, s21  }
0x84: {  	s24 =	simm.s32 @!p1 $0x1;
	s21 =	sor.u32 @!p1 s21, s22;
	s22 =	sadd.s32 @!p1 $0x140, s19  }
0x85: {  	s25 =	simm.s32 @!p1 $0x80;
	s21 =	sshrl.u32 @!p1 s21, $0x3;
	s22 =	sand.u32 @!p1 $0x1FFFFF00, s22  }
0x86: {  	s23 =	sor.u32 @!p1 $0x1C01, s23;
	s21 =	sadd.s32 @!p1 s4, s21;
	s22 =	sadd.s32 @!p1 s22, s8  }
0x87: {  	[hbm:s22@s25], [sflag:s23] =	dma.strided @!p1 [hbm:s21@s25], $0x20, s24, $0x10   }
0x88: {  	p1 =	sge.u32 s26, s5  }
0x89: {  	(v2sf) =	vpush @!p1 v0, $0xB;
	_ =	sdelay $0xe  }
0x8a: {  	s21 =	spop @!p1 (v2sf)  }
0x8b: {  	s28 =	sadd.s32 $0xC, s20;
	s22 =	sshll.u32 @!p1 s21, $0x8;
	s21 =	sshll.u32 @!p1 s21, $0x7  }
0x8c: {  	s23 =	sshll.u32 @!p1 s2, $0x6;
	s22 =	sand.u32 @!p1 $0xFFFFF800, s22;
	s21 =	sand.u32 @!p1 $0x380, s21  }
0x8d: {  	s24 =	simm.s32 @!p1 $0x1;
	s21 =	sor.u32 @!p1 s21, s22;
	s22 =	sadd.s32 @!p1 $0x160, s19  }
0x8e: {  	s25 =	simm.s32 @!p1 $0x80;
	s21 =	sshrl.u32 @!p1 s21, $0x3;
	s22 =	sand.u32 @!p1 $0x1FFFFF00, s22  }
0x8f: {  	s23 =	sor.u32 @!p1 $0x1C01, s23;
	s21 =	sadd.s32 @!p1 s4, s21;
	s22 =	sadd.s32 @!p1 s22, s9  }
0x90: {  	[hbm:s22@s25], [sflag:s23] =	dma.strided @!p1 [hbm:s21@s25], $0x20, s24, $0x10   }
0x91: {  	p1 =	sge.u32 s28, s5  }
0x92: {  	(v2sf) =	vpush @!p1 v0, $0xC;
	_ =	sdelay $0xe  }
0x93: {  	s21 =	spop @!p1 (v2sf)  }
0x94: {  	s29 =	sadd.s32 $0xD, s20;
	s22 =	sshll.u32 @!p1 s21, $0x8;
	s21 =	sshll.u32 @!p1 s21, $0x7  }
0x95: {  	s23 =	sshll.u32 @!p1 s2, $0x6;
	s22 =	sand.u32 @!p1 $0xFFFFF800, s22;
	s21 =	sand.u32 @!p1 $0x380, s21  }
0x96: {  	s24 =	simm.s32 @!p1 $0x1;
	s21 =	sor.u32 @!p1 s21, s22;
	s22 =	sadd.s32 @!p1 $0x180, s19  }
0x97: {  	s25 =	simm.s32 @!p1 $0x80;
	s21 =	sshrl.u32 @!p1 s21, $0x3;
	s22 =	sand.u32 @!p1 $0x1FFFFF00, s22  }
0x98: {  	s23 =	sor.u32 @!p1 $0x1C01, s23;
	s21 =	sadd.s32 @!p1 s4, s21;
	s22 =	sadd.s32 @!p1 s22, s10  }
0x99: {  	[hbm:s22@s25], [sflag:s23] =	dma.strided @!p1 [hbm:s21@s25], $0x20, s24, $0x10   }
0x9a: {  	p1 =	sge.u32 s29, s5  }
0x9b: {  	(v2sf) =	vpush @!p1 v0, $0xD;
	_ =	sdelay $0xe  }
0x9c: {  	s21 =	spop @!p1 (v2sf)  }
0x9d: {  	s30 =	sadd.s32 $0xE, s20;
	s22 =	sshll.u32 @!p1 s21, $0x8;
	s21 =	sshll.u32 @!p1 s21, $0x7  }
0x9e: {  	s23 =	sshll.u32 @!p1 s2, $0x6;
	s22 =	sand.u32 @!p1 $0xFFFFF800, s22;
	s21 =	sand.u32 @!p1 $0x380, s21  }
0x9f: {  	s24 =	simm.s32 @!p1 $0x1;
	s21 =	sor.u32 @!p1 s21, s22;
	s22 =	sadd.s32 @!p1 $0x1A0, s19  }
0xa0: {  	s25 =	simm.s32 @!p1 $0x80;
	s21 =	sshrl.u32 @!p1 s21, $0x3;
	s22 =	sand.u32 @!p1 $0x1FFFFF00, s22  }
0xa1: {  	s23 =	sor.u32 @!p1 $0x1C01, s23;
	s21 =	sadd.s32 @!p1 s4, s21;
	s22 =	sadd.s32 @!p1 s22, s11  }
0xa2: {  	[hbm:s22@s25], [sflag:s23] =	dma.strided @!p1 [hbm:s21@s25], $0x20, s24, $0x10   }
0xa3: {  	p1 =	sge.u32 s30, s5  }
0xa4: {  	(v2sf) =	vpush @!p1 v0, $0xE;
	_ =	sdelay $0xe  }
0xa5: {  	s21 =	spop @!p1 (v2sf)  }
0xa6: {  	s31 =	sadd.s32 $0xF, s20;
	s22 =	sshll.u32 @!p1 s21, $0x8;
	s21 =	sshll.u32 @!p1 s21, $0x7  }
0xa7: {  	s23 =	sshll.u32 @!p1 s2, $0x6;
	s22 =	sand.u32 @!p1 $0xFFFFF800, s22;
	s21 =	sand.u32 @!p1 $0x380, s21  }
0xa8: {  	s24 =	simm.s32 @!p1 $0x1;
	s21 =	sor.u32 @!p1 s21, s22;
	s22 =	sadd.s32 @!p1 $0x1C0, s19  }
0xa9: {  	s25 =	simm.s32 @!p1 $0x80;
	s21 =	sshrl.u32 @!p1 s21, $0x3;
	s22 =	sand.u32 @!p1 $0x1FFFFF00, s22  }
0xaa: {  	s23 =	sor.u32 @!p1 $0x1C01, s23;
	s21 =	sadd.s32 @!p1 s4, s21;
	s22 =	sadd.s32 @!p1 s22, s12  }
0xab: {  	[hbm:s22@s25], [sflag:s23] =	dma.strided @!p1 [hbm:s21@s25], $0x20, s24, $0x10   }
0xac: {  	p1 =	sge.u32 s31, s5  }
0xad: {  	(v2sf) =	vpush @!p1 v0, $0xF;
	_ =	sdelay $0xe  }
0xae: {  	s21 =	spop @!p1 (v2sf)  }
0xaf: {  	s22 =	sshll.u32 @!p1 s21, $0x8;
	s21 =	sshll.u32 @!p1 s21, $0x7  }
0xb0: {  	s23 =	sshll.u32 @!p1 s2, $0x6;
	s22 =	sand.u32 @!p1 $0xFFFFF800, s22;
	s21 =	sand.u32 @!p1 $0x380, s21  }
0xb1: {  	s24 =	simm.s32 @!p1 $0x1;
	s21 =	sor.u32 @!p1 s21, s22;
	s22 =	sadd.s32 @!p1 $0x1E0, s19  }
0xb2: {  	s25 =	simm.s32 @!p1 $0x80;
	s21 =	sshrl.u32 @!p1 s21, $0x3;
	s22 =	sand.u32 @!p1 $0x1FFFFF00, s22  }
0xb3: {  	s23 =	sor.u32 @!p1 $0x1C01, s23;
	s21 =	sadd.s32 @!p1 s4, s21;
	s22 =	sadd.s32 @!p1 s22, s13  }
0xb4: {  	[hbm:s22@s25], [sflag:s23] =	dma.strided @!p1 [hbm:s21@s25], $0x20, s24, $0x10   }
0xb5: {  	s20 =	sadd.s32 $0x10, s20;
	s21 =	rddreg [dreg:$0xa]  }
0xb6: {  	p1 =	sne.s32 s21, s20  }
.Ltmp0:
0xb7: {  	_ = 	snop;
	(pc) =	sbr.rel @p1 .LBB2_2-.Ltmp0, $2  }
0xb8: {  	_ =	sdelay $0x2  }
0xb9: {  	s18 =	sadd.s32 $0x10, s18;
	s19 =	sadd.s32 $0x200, s19  }
0xba: {  	s18 =	simm.s32 @p0 $0x1;
	s17 =	sadd.s32 $0x1, s17  }
0xbb: {  	_ =	swait.ge @p0 [sflag:s18], $0x3900;
	p1 =	sne.s32 s17, s14  }
.Ltmp1:
0xbc: {  	[sflag:s18] =	ssyncset.done @p0 $0x0;
	(pc) =	sbr.rel @p1 .LBB2_1-.Ltmp1, $4  }
0xbd: {  	[sflag:s18] =	ssyncadd.s32 @p0 $0xFFFFC700;
	s18 =	simm.s32 @!p0 $0x1  }
0xbe: {  	_ =	swait.ge @!p0 [sflag:s18], $0x3300  }
0xbf: {  	[sflag:s18] =	ssyncset.done @!p0 $0x0  }
0xc0: {  	[sflag:s18] =	ssyncadd.s32 @!p0 $0xFFFFCD00  }
0xc1: {  	_ =	sfence.sel $0x180000  }
0xc2: {  	[bflag:$0x0] =	sbarrier.arrive $0xFFFF  }
0xc3: {  	p0 =	sne.s32 s2, $0x0;
	_ =	strace $0x90000047  }
0xc4: {  	s0 =	sadd.s32 @!p0 $0x100000, s0;
	[bflag:$0x2] =	sbarrier.arrive $0xFFFF  }
0xc5: {  	[sflag:s0] =	ssyncadd.tile.s32 @!p0 $0x1;
	_ =	shalt  }
.Lfunc_end2:
_tile_overlayer_lowered:
.L_overlay_start_2:
0xc6: {  	(tag) =	ssettag $0x2  }
0xc7: {  	s0 =	rddreg [dreg:$0x0];
	s2 =	stileid.u32  }
0xc8: {  	s1 =	rddreg [dreg:$0x1];
	p0 =	sne.s32 s2, $0x0  }
0xc9: {  	s3 =	rddreg [dreg:$0x2];
	[bflag:$0x3] =	sbarrier.arrive $0xFFFF;
	s2 =	simm.s32 @!p0 $0x1C02  }
0xca: {  	[timem:s3], [sflag:s2] =	dma.local @!p0 [hbm:s0], s1  }
0xcb: {  	s0 =	simm.s32 @!p0 $0x2  }
0xcc: {  	_ =	swait.ge @!p0 [sflag:s0], s1  }
0xcd: {  	s1 =	ssub.s32 @!p0 $0x0, s1;
	[sflag:s0] =	ssyncset.done @!p0 $0x0  }
0xce: {  	[sflag:s0] =	ssyncadd.s32 @!p0 s1  }
0xcf: {  	[bflag:$0x3] =	sbarrier.arrive $0xFFFF  }
0xd0: {  	_ =	shalt  }

</sc_bundles>
